<compile_context>
chip_gen: v7x
topology: tpu7x:2x2x1
jax: 0.10.2.dev20260603
libtpu: 0.0.44.dev20260713+nightly
codegen_flags: <defaults>
</compile_context>

<pallas_src>
import functools

import jax
import jax.numpy as jnp
from jax import lax
from jax.experimental import pallas as pl
from jax.experimental.pallas import tpu as pltpu
from jax.experimental.pallas import tpu_sc as plsc

N0, N1, N2 = 10000, 4000, 1000
E0, E1 = 64000, 16000
D_IN, D_HID, D_OUT = 256, 512, 256

NC, NS = 2, 16
K = 128


def _make_agg(n_src, n_dst, d, c_chunks):
  n_pad = n_dst + 8
  rz = -(-n_dst // NS)
  rz = -(-rz // 8) * 8
  zch = min(K, rz)
  nzc = rz // zch
  mesh = plsc.VectorSubcoreMesh(core_axis_name="c", subcore_axis_name="s")

  @functools.partial(
      pl.kernel,
      out_type=[
          jax.ShapeDtypeStruct((NC, n_dst, d), jnp.float32),
          jax.ShapeDtypeStruct((NC, n_dst, 16), jnp.float32),
      ],
      mesh=mesh,
      compiler_params=pltpu.CompilerParams(use_tc_tiling_on_sc=False),
      scratch_types=[
          pltpu.VMEM_SHARED((n_pad, d), jnp.float32),
          pltpu.VMEM_SHARED((n_pad, 16), jnp.float32),
          pltpu.VMEM((c_chunks, K), jnp.int32),
          pltpu.VMEM((c_chunks, K), jnp.int32),
          pltpu.VMEM((K, d), jnp.float32),
          pltpu.VMEM((K, 16), jnp.float32),
          pltpu.VMEM((rz, 16), jnp.float32),
          pltpu.SemaphoreType.DMA,
      ],
  )
  def agg(table, srcr, dstr, out_acc, out_cnt,
          acc_sh, cnt_sh, src_vm, dst_vm, gbuf, ones_vm, zc_vm, gsem):
    cid = lax.axis_index("c")
    sid = lax.axis_index("s")

    def zrow(i, carry):
      for t in range(d // 16):
        gbuf[i, pl.ds(t * 16, 16)] = jnp.zeros((16,), jnp.float32)
      return carry
    lax.fori_loop(0, K, zrow, 0)

    def zrow16(i, carry):
      zc_vm[i, :] = jnp.zeros((16,), jnp.float32)
      return carry
    lax.fori_loop(0, rz, zrow16, 0)

    def orow16(i, carry):
      ones_vm[i, :] = jnp.ones((16,), jnp.float32)
      return carry
    lax.fori_loop(0, K, orow16, 0)

    start = pl.multiple_of(jnp.minimum(sid * rz, n_dst - rz), 8)
    for q in range(nzc):
      st = pl.multiple_of(jnp.minimum(start + q * zch, n_dst - zch), 8)
      pltpu.sync_copy(gbuf.at[pl.ds(0, zch)], acc_sh.at[pl.ds(st, zch)])
    pltpu.sync_copy(zc_vm, cnt_sh.at[pl.ds(start, rz)])

    pltpu.sync_copy(srcr.at[cid, sid], src_vm)
    pltpu.sync_copy(dstr.at[cid, sid], dst_vm)

    plsc.subcore_barrier()

    def step(j, carry):
      pltpu.async_copy(table.at[src_vm.at[j]], gbuf, gsem).wait()
      pltpu.sync_copy(gbuf, acc_sh.at[dst_vm.at[j]], add=True)
      pltpu.sync_copy(ones_vm, cnt_sh.at[dst_vm.at[j]], add=True)
      return carry
    lax.fori_loop(0, c_chunks, step, 0)

    plsc.subcore_barrier()

    for q in range(nzc):
      st = pl.multiple_of(jnp.minimum(start + q * zch, n_dst - zch), 8)
      pltpu.sync_copy(acc_sh.at[pl.ds(st, zch)], out_acc.at[cid, pl.ds(st, zch)])
    pltpu.sync_copy(cnt_sh.at[pl.ds(start, rz)], out_cnt.at[cid, pl.ds(start, rz)])

  return agg


_agg1 = _make_agg(N0, N1, D_IN, 16)
_agg2 = _make_agg(N1, N2, D_HID, 4)


def _pad_edges(src, dst, c_chunks, dummy_dst):
  e_pad = NC * NS * c_chunks * K
  pad = e_pad - src.shape[0]
  src_p = jnp.concatenate([src.astype(jnp.int32),
                           jnp.zeros((pad,), jnp.int32)])
  dst_p = jnp.concatenate([dst.astype(jnp.int32),
                           jnp.full((pad,), dummy_dst, jnp.int32)])
  return (src_p.reshape(NC, NS, c_chunks, K),
          dst_p.reshape(NC, NS, c_chunks, K))


def _dense_body(acc_ref, cnt_ref, w_ref, b_ref, out_ref):
  s = acc_ref[0] + acc_ref[1]
  c = cnt_ref[0, :, 0:1] + cnt_ref[1, :, 0:1]
  mean = s / jnp.maximum(c, 1.0)
  y = jnp.dot(mean, w_ref[...], preferred_element_type=jnp.float32)
  out_ref[...] = jnp.maximum(y + b_ref[...], 0.0)


def _dense(acc, cnt, w, b):
  n = acc.shape[1]
  dout = w.shape[1]
  return pl.pallas_call(
      _dense_body,
      out_shape=jax.ShapeDtypeStruct((n, dout), jnp.float32),
  )(acc, cnt, w, b)


def kernel(x, src0, dst0, src1, dst1, W1, b1, W2, b2):
  src0r, dst0r = _pad_edges(src0, dst0, 16, N1)
  src1r, dst1r = _pad_edges(src1, dst1, 4, N2)

  acc1, cnt1 = _agg1(x, src0r, dst0r)
  h = _dense(acc1, cnt1, W1, b1.reshape(1, D_HID))
  acc2, cnt2 = _agg2(h, src1r, dst1r)
  return _dense(acc2, cnt2, W2, b2.reshape(1, D_OUT))

# --- scband reference (transcript-rebuilt; emitter-appended) ---
"""Pipeline reference for scband-stochastic-two-layer-gcn-31877247271293 (READ-ONLY COPY).

The authoritative reference and input builder live on the scoring server;
editing this copy changes nothing except your own understanding.
"""

import jax, jax.numpy as jnp
import numpy as np

N0, N1, N2 = 10000, 4000, 1000
E0, E1 = 64000, 16000
D_IN, D_HID, D_OUT = 256, 512, 256


def setup_inputs(seed: int = 0) -> dict:
    key = jax.random.key(seed)
    ks = jax.random.split(key, 10)
    x = jax.random.normal(ks[0], (N0, D_IN), dtype=jnp.float32)
    src0 = jax.random.randint(ks[1], (E0,), 0, N0, dtype=jnp.int64)
    dst0 = jax.random.randint(ks[2], (E0,), 0, N1, dtype=jnp.int64)
    src1 = jax.random.randint(ks[3], (E1,), 0, N1, dtype=jnp.int64)
    dst1 = jax.random.randint(ks[4], (E1,), 0, N2, dtype=jnp.int64)
    # Linear layer params (torch nn.Linear: y = x @ W.T + b); store as [in, out]
    W1 = jax.random.normal(ks[5], (D_IN, D_HID), dtype=jnp.float32) * (1.0 / np.sqrt(D_IN))
    b1 = jnp.zeros((D_HID,), dtype=jnp.float32)
    W2 = jax.random.normal(ks[6], (D_HID, D_OUT), dtype=jnp.float32) * (1.0 / np.sqrt(D_HID))
    b2 = jnp.zeros((D_OUT,), dtype=jnp.float32)
    return {"x": x, "src0": src0, "dst0": dst0, "src1": src1, "dst1": dst1,
            "W1": W1, "b1": b1, "W2": W2, "b2": b2}


def _gcn_conv(h_src, src, dst, num_dst, W, b):
    # copy_u('h','m') then mean('m','h_neigh'): gather src feats, mean-reduce by dst
    m = jnp.take(h_src, src, axis=0)  # [E, d]
    s = jax.ops.segment_sum(m, dst, num_segments=num_dst)  # [num_dst, d]
    cnt = jax.ops.segment_sum(jnp.ones((src.shape[0],), dtype=h_src.dtype), dst,
                              num_segments=num_dst)
    h_neigh = s / jnp.maximum(cnt, 1.0)[:, None]
    return h_neigh @ W + b


def reference(x, src0, dst0, src1, dst1, W1, b1, W2, b2):
    h = jax.nn.relu(_gcn_conv(x, src0, dst0, N1, W1, b1))
    h = jax.nn.relu(_gcn_conv(h, src1, dst1, N2, W2, b2))
    return h

if __name__ == "__main__":
    import jax
    _d = setup_inputs()
    print(jax.jit(kernel)(*tuple(_d.values())))

</pallas_src>

<mosaic_0001>
#map = affine_map<(d0, d1) -> (0, 0)>
#map1 = affine_map<(d0, d1) -> (0, 0, 0, 0)>
#map2 = affine_map<(d0, d1) -> (0, 0, 0)>
module attributes {stable_mosaic.version = 14 : i64} {
  func.func @agg(%arg0: i32, %arg1: i32, %arg2: memref<10000x256xf32, #tpu.memory_space<hbm>>, %arg3: memref<2x16x16x128xi32, #tpu.memory_space<hbm>>, %arg4: memref<2x16x16x128xi32, #tpu.memory_space<hbm>>, %arg5: memref<2x4000x256xf32, #tpu.memory_space<hbm>>, %arg6: memref<2x4000x16xf32, #tpu.memory_space<hbm>>, %arg7: memref<4008x256xf32, #tpu.memory_space<vmem_shared>>, %arg8: memref<4008x16xf32, #tpu.memory_space<vmem_shared>>, %arg9: memref<16x128xi32, #tpu.memory_space<vmem>>, %arg10: memref<16x128xi32, #tpu.memory_space<vmem>>, %arg11: memref<128x256xf32, #tpu.memory_space<vmem>>, %arg12: memref<128x16xf32, #tpu.memory_space<vmem>>, %arg13: memref<256x16xf32, #tpu.memory_space<vmem>>, %arg14: memref<!tpu.dma_semaphore, #tpu.memory_space<semaphore_mem>>) attributes {dimension_semantics = [#tpu.dimension_semantics<core_parallel>, #tpu.dimension_semantics<subcore_parallel>], iteration_bounds = array<i64: 2, 16>, scalar_prefetch = 0 : i64, scratch_operands = 8 : i64, tpu.core_type = #tpu.core_type<sc_vector_subcore>, window_params = [{transform_indices = #map}, {transform_indices = #map1}, {transform_indices = #map1}, {transform_indices = #map2}, {transform_indices = #map2}]} {
    %scan3A = arith.constant 0 : i32
    %scan3A_0 = arith.constant 0 : i32
    %scan3A_1 = arith.constant 128 : i32
    %scan3A_2 = arith.addi %scan3A_0, %scan3A_1 : i32
    %scan3A_3 = arith.constant 1 : i32
    scf.for %scan3A_45 = %scan3A_0 to %scan3A_2 step %scan3A_3  : i32 {
      %broadcast_in_dim3A = arith.constant 0.000000e+00 : f32
      %broadcast_in_dim3A_46 = vector.broadcast %broadcast_in_dim3A : f32 to vector<16xf32>
      %swap3A = arith.index_cast %scan3A_45 : i32 to index
      %swap3A_47 = arith.constant 0 : index
      %swap3A_48 = tpu.vector_load %arg11[%swap3A, %swap3A_47] {strides = array<i32>} : memref<128x256xf32, #tpu.memory_space<vmem>>, vector<1x16xf32>,
      %swap3A_49 = vector.shape_cast %swap3A_48 : vector<1x16xf32> to vector<16xf32>
      %swap3A_50 = vector.shape_cast %broadcast_in_dim3A_46 : vector<16xf32> to vector<1x16xf32>
      tpu.vector_store %arg11[%swap3A, %swap3A_47], %swap3A_50 {strides = array<i32>} : memref<128x256xf32, #tpu.memory_space<vmem>>, vector<1x16xf32>,
      %broadcast_in_dim3A_51 = arith.constant 0.000000e+00 : f32
      %broadcast_in_dim3A_52 = vector.broadcast %broadcast_in_dim3A_51 : f32 to vector<16xf32>
      %swap3A_53 = arith.index_cast %scan3A_45 : i32 to index
      %swap3A_54 = arith.constant 16 : index
      %swap3A_55 = tpu.vector_load %arg11[%swap3A_53, %swap3A_54] {strides = array<i32>} : memref<128x256xf32, #tpu.memory_space<vmem>>, vector<1x16xf32>,
      %swap3A_56 = vector.shape_cast %swap3A_55 : vector<1x16xf32> to vector<16xf32>
      %swap3A_57 = vector.shape_cast %broadcast_in_dim3A_52 : vector<16xf32> to vector<1x16xf32>
      tpu.vector_store %arg11[%swap3A_53, %swap3A_54], %swap3A_57 {strides = array<i32>} : memref<128x256xf32, #tpu.memory_space<vmem>>, vector<1x16xf32>,
      %broadcast_in_dim3A_58 = arith.constant 0.000000e+00 : f32
      %broadcast_in_dim3A_59 = vector.broadcast %broadcast_in_dim3A_58 : f32 to vector<16xf32>
      %swap3A_60 = arith.index_cast %scan3A_45 : i32 to index
      %swap3A_61 = arith.constant 32 : index
      %swap3A_62 = tpu.vector_load %arg11[%swap3A_60, %swap3A_61] {strides = array<i32>} : memref<128x256xf32, #tpu.memory_space<vmem>>, vector<1x16xf32>,
      %swap3A_63 = vector.shape_cast %swap3A_62 : vector<1x16xf32> to vector<16xf32>
      %swap3A_64 = vector.shape_cast %broadcast_in_dim3A_59 : vector<16xf32> to vector<1x16xf32>
      tpu.vector_store %arg11[%swap3A_60, %swap3A_61], %swap3A_64 {strides = array<i32>} : memref<128x256xf32, #tpu.memory_space<vmem>>, vector<1x16xf32>,
      %broadcast_in_dim3A_65 = arith.constant 0.000000e+00 : f32
      %broadcast_in_dim3A_66 = vector.broadcast %broadcast_in_dim3A_65 : f32 to vector<16xf32>
      %swap3A_67 = arith.index_cast %scan3A_45 : i32 to index
      %swap3A_68 = arith.constant 48 : index
      %swap3A_69 = tpu.vector_load %arg11[%swap3A_67, %swap3A_68] {strides = array<i32>} : memref<128x256xf32, #tpu.memory_space<vmem>>, vector<1x16xf32>,
      %swap3A_70 = vector.shape_cast %swap3A_69 : vector<1x16xf32> to vector<16xf32>
      %swap3A_71 = vector.shape_cast %broadcast_in_dim3A_66 : vector<16xf32> to vector<1x16xf32>
      tpu.vector_store %arg11[%swap3A_67, %swap3A_68], %swap3A_71 {strides = array<i32>} : memref<128x256xf32, #tpu.memory_space<vmem>>, vector<1x16xf32>,
      %broadcast_in_dim3A_72 = arith.constant 0.000000e+00 : f32
      %broadcast_in_dim3A_73 = vector.broadcast %broadcast_in_dim3A_72 : f32 to vector<16xf32>
      %swap3A_74 = arith.index_cast %scan3A_45 : i32 to index
      %swap3A_75 = arith.constant 64 : index
      %swap3A_76 = tpu.vector_load %arg11[%swap3A_74, %swap3A_75] {strides = array<i32>} : memref<128x256xf32, #tpu.memory_space<vmem>>, vector<1x16xf32>,
      %swap3A_77 = vector.shape_cast %swap3A_76 : vector<1x16xf32> to vector<16xf32>
      %swap3A_78 = vector.shape_cast %broadcast_in_dim3A_73 : vector<16xf32> to vector<1x16xf32>
      tpu.vector_store %arg11[%swap3A_74, %swap3A_75], %swap3A_78 {strides = array<i32>} : memref<128x256xf32, #tpu.memory_space<vmem>>, vector<1x16xf32>,
      %broadcast_in_dim3A_79 = arith.constant 0.000000e+00 : f32
      %broadcast_in_dim3A_80 = vector.broadcast %broadcast_in_dim3A_79 : f32 to vector<16xf32>
      %swap3A_81 = arith.index_cast %scan3A_45 : i32 to index
      %swap3A_82 = arith.constant 80 : index
      %swap3A_83 = tpu.vector_load %arg11[%swap3A_81, %swap3A_82] {strides = array<i32>} : memref<128x256xf32, #tpu.memory_space<vmem>>, vector<1x16xf32>,
      %swap3A_84 = vector.shape_cast %swap3A_83 : vector<1x16xf32> to vector<16xf32>
      %swap3A_85 = vector.shape_cast %broadcast_in_dim3A_80 : vector<16xf32> to vector<1x16xf32>
      tpu.vector_store %arg11[%swap3A_81, %swap3A_82], %swap3A_85 {strides = array<i32>} : memref<128x256xf32, #tpu.memory_space<vmem>>, vector<1x16xf32>,
      %broadcast_in_dim3A_86 = arith.constant 0.000000e+00 : f32
      %broadcast_in_dim3A_87 = vector.broadcast %broadcast_in_dim3A_86 : f32 to vector<16xf32>
      %swap3A_88 = arith.index_cast %scan3A_45 : i32 to index
      %swap3A_89 = arith.constant 96 : index
      %swap3A_90 = tpu.vector_load %arg11[%swap3A_88, %swap3A_89] {strides = array<i32>} : memref<128x256xf32, #tpu.memory_space<vmem>>, vector<1x16xf32>,
      %swap3A_91 = vector.shape_cast %swap3A_90 : vector<1x16xf32> to vector<16xf32>
      %swap3A_92 = vector.shape_cast %broadcast_in_dim3A_87 : vector<16xf32> to vector<1x16xf32>
      tpu.vector_store %arg11[%swap3A_88, %swap3A_89], %swap3A_92 {strides = array<i32>} : memref<128x256xf32, #tpu.memory_space<vmem>>, vector<1x16xf32>,
      %broadcast_in_dim3A_93 = arith.constant 0.000000e+00 : f32
      %broadcast_in_dim3A_94 = vector.broadcast %broadcast_in_dim3A_93 : f32 to vector<16xf32>
      %swap3A_95 = arith.index_cast %scan3A_45 : i32 to index
      %swap3A_96 = arith.constant 112 : index
      %swap3A_97 = tpu.vector_load %arg11[%swap3A_95, %swap3A_96] {strides = array<i32>} : memref<128x256xf32, #tpu.memory_space<vmem>>, vector<1x16xf32>,
      %swap3A_98 = vector.shape_cast %swap3A_97 : vector<1x16xf32> to vector<16xf32>
      %swap3A_99 = vector.shape_cast %broadcast_in_dim3A_94 : vector<16xf32> to vector<1x16xf32>
      tpu.vector_store %arg11[%swap3A_95, %swap3A_96], %swap3A_99 {strides = array<i32>} : memref<128x256xf32, #tpu.memory_space<vmem>>, vector<1x16xf32>,
      %broadcast_in_dim3A_100 = arith.constant 0.000000e+00 : f32
      %broadcast_in_dim3A_101 = vector.broadcast %broadcast_in_dim3A_100 : f32 to vector<16xf32>
      %swap3A_102 = arith.index_cast %scan3A_45 : i32 to index
      %swap3A_103 = arith.constant 128 : index
      %swap3A_104 = tpu.vector_load %arg11[%swap3A_102, %swap3A_103] {strides = array<i32>} : memref<128x256xf32, #tpu.memory_space<vmem>>, vector<1x16xf32>,
      %swap3A_105 = vector.shape_cast %swap3A_104 : vector<1x16xf32> to vector<16xf32>
      %swap3A_106 = vector.shape_cast %broadcast_in_dim3A_101 : vector<16xf32> to vector<1x16xf32>
      tpu.vector_store %arg11[%swap3A_102, %swap3A_103], %swap3A_106 {strides = array<i32>} : memref<128x256xf32, #tpu.memory_space<vmem>>, vector<1x16xf32>,
      %broadcast_in_dim3A_107 = arith.constant 0.000000e+00 : f32
      %broadcast_in_dim3A_108 = vector.broadcast %broadcast_in_dim3A_107 : f32 to vector<16xf32>
      %swap3A_109 = arith.index_cast %scan3A_45 : i32 to index
      %swap3A_110 = arith.constant 144 : index
      %swap3A_111 = tpu.vector_load %arg11[%swap3A_109, %swap3A_110] {strides = array<i32>} : memref<128x256xf32, #tpu.memory_space<vmem>>, vector<1x16xf32>,
      %swap3A_112 = vector.shape_cast %swap3A_111 : vector<1x16xf32> to vector<16xf32>
      %swap3A_113 = vector.shape_cast %broadcast_in_dim3A_108 : vector<16xf32> to vector<1x16xf32>
      tpu.vector_store %arg11[%swap3A_109, %swap3A_110], %swap3A_113 {strides = array<i32>} : memref<128x256xf32, #tpu.memory_space<vmem>>, vector<1x16xf32>,
      %broadcast_in_dim3A_114 = arith.constant 0.000000e+00 : f32
      %broadcast_in_dim3A_115 = vector.broadcast %broadcast_in_dim3A_114 : f32 to vector<16xf32>
      %swap3A_116 = arith.index_cast %scan3A_45 : i32 to index
      %swap3A_117 = arith.constant 160 : index
      %swap3A_118 = tpu.vector_load %arg11[%swap3A_116, %swap3A_117] {strides = array<i32>} : memref<128x256xf32, #tpu.memory_space<vmem>>, vector<1x16xf32>,
      %swap3A_119 = vector.shape_cast %swap3A_118 : vector<1x16xf32> to vector<16xf32>
      %swap3A_120 = vector.shape_cast %broadcast_in_dim3A_115 : vector<16xf32> to vector<1x16xf32>
      tpu.vector_store %arg11[%swap3A_116, %swap3A_117], %swap3A_120 {strides = array<i32>} : memref<128x256xf32, #tpu.memory_space<vmem>>, vector<1x16xf32>,
      %broadcast_in_dim3A_121 = arith.constant 0.000000e+00 : f32
      %broadcast_in_dim3A_122 = vector.broadcast %broadcast_in_dim3A_121 : f32 to vector<16xf32>
      %swap3A_123 = arith.index_cast %scan3A_45 : i32 to index
      %swap3A_124 = arith.constant 176 : index
      %swap3A_125 = tpu.vector_load %arg11[%swap3A_123, %swap3A_124] {strides = array<i32>} : memref<128x256xf32, #tpu.memory_space<vmem>>, vector<1x16xf32>,
      %swap3A_126 = vector.shape_cast %swap3A_125 : vector<1x16xf32> to vector<16xf32>
      %swap3A_127 = vector.shape_cast %broadcast_in_dim3A_122 : vector<16xf32> to vector<1x16xf32>
      tpu.vector_store %arg11[%swap3A_123, %swap3A_124], %swap3A_127 {strides = array<i32>} : memref<128x256xf32, #tpu.memory_space<vmem>>, vector<1x16xf32>,
      %broadcast_in_dim3A_128 = arith.constant 0.000000e+00 : f32
      %broadcast_in_dim3A_129 = vector.broadcast %broadcast_in_dim3A_128 : f32 to vector<16xf32>
      %swap3A_130 = arith.index_cast %scan3A_45 : i32 to index
      %swap3A_131 = arith.constant 192 : index
      %swap3A_132 = tpu.vector_load %arg11[%swap3A_130, %swap3A_131] {strides = array<i32>} : memref<128x256xf32, #tpu.memory_space<vmem>>, vector<1x16xf32>,
      %swap3A_133 = vector.shape_cast %swap3A_132 : vector<1x16xf32> to vector<16xf32>
      %swap3A_134 = vector.shape_cast %broadcast_in_dim3A_129 : vector<16xf32> to vector<1x16xf32>
      tpu.vector_store %arg11[%swap3A_130, %swap3A_131], %swap3A_134 {strides = array<i32>} : memref<128x256xf32, #tpu.memory_space<vmem>>, vector<1x16xf32>,
      %broadcast_in_dim3A_135 = arith.constant 0.000000e+00 : f32
      %broadcast_in_dim3A_136 = vector.broadcast %broadcast_in_dim3A_135 : f32 to vector<16xf32>
      %swap3A_137 = arith.index_cast %scan3A_45 : i32 to index
      %swap3A_138 = arith.constant 208 : index
      %swap3A_139 = tpu.vector_load %arg11[%swap3A_137, %swap3A_138] {strides = array<i32>} : memref<128x256xf32, #tpu.memory_space<vmem>>, vector<1x16xf32>,
      %swap3A_140 = vector.shape_cast %swap3A_139 : vector<1x16xf32> to vector<16xf32>
      %swap3A_141 = vector.shape_cast %broadcast_in_dim3A_136 : vector<16xf32> to vector<1x16xf32>
      tpu.vector_store %arg11[%swap3A_137, %swap3A_138], %swap3A_141 {strides = array<i32>} : memref<128x256xf32, #tpu.memory_space<vmem>>, vector<1x16xf32>,
      %broadcast_in_dim3A_142 = arith.constant 0.000000e+00 : f32
      %broadcast_in_dim3A_143 = vector.broadcast %broadcast_in_dim3A_142 : f32 to vector<16xf32>
      %swap3A_144 = arith.index_cast %scan3A_45 : i32 to index
      %swap3A_145 = arith.constant 224 : index
      %swap3A_146 = tpu.vector_load %arg11[%swap3A_144, %swap3A_145] {strides = array<i32>} : memref<128x256xf32, #tpu.memory_space<vmem>>, vector<1x16xf32>,
      %swap3A_147 = vector.shape_cast %swap3A_146 : vector<1x16xf32> to vector<16xf32>
      %swap3A_148 = vector.shape_cast %broadcast_in_dim3A_143 : vector<16xf32> to vector<1x16xf32>
      tpu.vector_store %arg11[%swap3A_144, %swap3A_145], %swap3A_148 {strides = array<i32>} : memref<128x256xf32, #tpu.memory_space<vmem>>, vector<1x16xf32>,
      %broadcast_in_dim3A_149 = arith.constant 0.000000e+00 : f32
      %broadcast_in_dim3A_150 = vector.broadcast %broadcast_in_dim3A_149 : f32 to vector<16xf32>
      %swap3A_151 = arith.index_cast %scan3A_45 : i32 to index
      %swap3A_152 = arith.constant 240 : index
      %swap3A_153 = tpu.vector_load %arg11[%swap3A_151, %swap3A_152] {strides = array<i32>} : memref<128x256xf32, #tpu.memory_space<vmem>>, vector<1x16xf32>,
      %swap3A_154 = vector.shape_cast %swap3A_153 : vector<1x16xf32> to vector<16xf32>
      %swap3A_155 = vector.shape_cast %broadcast_in_dim3A_150 : vector<16xf32> to vector<1x16xf32>
      tpu.vector_store %arg11[%swap3A_151, %swap3A_152], %swap3A_155 {strides = array<i32>} : memref<128x256xf32, #tpu.memory_space<vmem>>, vector<1x16xf32>,
    }
    %scan3A_4 = arith.constant 128 : i32
    %scan3A_5 = arith.constant 0 : i32
    %scan3A_6 = arith.constant 0 : i32
    %scan3A_7 = arith.constant 256 : i32
    %scan3A_8 = arith.addi %scan3A_6, %scan3A_7 : i32
    %scan3A_9 = arith.constant 1 : i32
    scf.for %scan3A_45 = %scan3A_6 to %scan3A_8 step %scan3A_9  : i32 {
      %broadcast_in_dim3A = arith.constant 0.000000e+00 : f32
      %broadcast_in_dim3A_46 = vector.broadcast %broadcast_in_dim3A : f32 to vector<16xf32>
      %swap3A = arith.index_cast %scan3A_45 : i32 to index
      %swap3A_47 = arith.constant 0 : index
      %swap3A_48 = tpu.vector_load %arg13[%swap3A, %swap3A_47] {strides = array<i32>} : memref<256x16xf32, #tpu.memory_space<vmem>>, vector<1x16xf32>,
      %swap3A_49 = vector.shape_cast %swap3A_48 : vector<1x16xf32> to vector<16xf32>
      %swap3A_50 = vector.shape_cast %broadcast_in_dim3A_46 : vector<16xf32> to vector<1x16xf32>
      tpu.vector_store %arg13[%swap3A, %swap3A_47], %swap3A_50 {strides = array<i32>} : memref<256x16xf32, #tpu.memory_space<vmem>>, vector<1x16xf32>,
    }
    %scan3A_10 = arith.constant 256 : i32
    %scan3A_11 = arith.constant 0 : i32
    %scan3A_12 = arith.constant 0 : i32
    %scan3A_13 = arith.constant 128 : i32
    %scan3A_14 = arith.addi %scan3A_12, %scan3A_13 : i32
    %scan3A_15 = arith.constant 1 : i32
    scf.for %scan3A_45 = %scan3A_12 to %scan3A_14 step %scan3A_15  : i32 {
      %broadcast_in_dim3A = arith.constant 1.000000e+00 : f32
      %broadcast_in_dim3A_46 = vector.broadcast %broadcast_in_dim3A : f32 to vector<16xf32>
      %swap3A = arith.index_cast %scan3A_45 : i32 to index
      %swap3A_47 = arith.constant 0 : index
      %swap3A_48 = tpu.vector_load %arg12[%swap3A, %swap3A_47] {strides = array<i32>} : memref<128x16xf32, #tpu.memory_space<vmem>>, vector<1x16xf32>,
      %swap3A_49 = vector.shape_cast %swap3A_48 : vector<1x16xf32> to vector<16xf32>
      %swap3A_50 = vector.shape_cast %broadcast_in_dim3A_46 : vector<16xf32> to vector<1x16xf32>
      tpu.vector_store %arg12[%swap3A, %swap3A_47], %swap3A_50 {strides = array<i32>} : memref<128x16xf32, #tpu.memory_space<vmem>>, vector<1x16xf32>,
    }
    %scan3A_16 = arith.constant 128 : i32
    %mul3A = arith.constant 256 : i32
    %mul3A_17 = arith.muli %arg1, %mul3A : i32
    %min3A = arith.constant 3744 : i32
    %min3A_18 = arith.minsi %mul3A_17, %min3A : i32
    %multiple_of3A = tpu.assume_multiple %min3A_18, 8 : i32
    %add3A = arith.constant 0 : i32
    %add3A_19 = arith.addi %multiple_of3A, %add3A : i32
    %min3A_20 = arith.constant 3872 : i32
    %min3A_21 = arith.minsi %add3A_19, %min3A_20 : i32
    %multiple_of3A_22 = tpu.assume_multiple %min3A_21, 8 : i32
    "tpu.region"() ({
      %run_scoped3A = tpu.sem_alloc : memref<!tpu.dma_semaphore, #tpu.memory_space<semaphore_mem>>
      %dma_start3A = arith.constant 0 : i32
      %dma_start3A_45 = arith.constant 0 : i32
      %dma_start3A_46 = tpu.memref_slice %arg11[%dma_start3A, %dma_start3A_45] : memref<128x256xf32, #tpu.memory_space<vmem>> -> memref<128x256xf32, #tpu.memory_space<vmem>>
      %dma_start3A_47 = arith.constant 0 : i32
      %dma_start3A_48 = tpu.memref_slice %arg7[%multiple_of3A_22, %dma_start3A_47] : memref<4008x256xf32, #tpu.memory_space<vmem_shared>> -> memref<128x256xf32, #tpu.memory_space<vmem_shared>>
      %dma_start3A_49 = arith.constant 0 : i32
      %dma_start3A_50 = tpu.memref_slice %arg7[%multiple_of3A_22, %dma_start3A_49] : memref<4008x256xf32, #tpu.memory_space<vmem_shared>> -> memref<128x256xf32, #tpu.memory_space<vmem_shared>>
      %dma_start3A_51 = arith.constant 0 : i32
      %dma_start3A_52 = arith.constant 0 : i32
      %dma_start3A_53 = tpu.memref_slice %arg11[%dma_start3A_51, %dma_start3A_52] : memref<128x256xf32, #tpu.memory_space<vmem>> -> memref<128x256xf32, #tpu.memory_space<vmem>>
      tpu.enqueue_dma source(%dma_start3A_53 : memref<128x256xf32, #tpu.memory_space<vmem>>) target(%dma_start3A_50 : memref<128x256xf32, #tpu.memory_space<vmem_shared>>) target_semaphore(%run_scoped3A : memref<!tpu.dma_semaphore, #tpu.memory_space<semaphore_mem>>)
      %dma_wait3A = arith.constant 0 : i32
      %dma_wait3A_54 = arith.constant 0 : i32
      %dma_wait3A_55 = tpu.memref_slice %arg11[%dma_wait3A, %dma_wait3A_54] : memref<128x256xf32, #tpu.memory_space<vmem>> -> memref<128x256xf32, #tpu.memory_space<vmem>>
      %dma_wait3A_56 = arith.constant 0 : i32
      %dma_wait3A_57 = tpu.memref_slice %arg7[%multiple_of3A_22, %dma_wait3A_56] : memref<4008x256xf32, #tpu.memory_space<vmem_shared>> -> memref<128x256xf32, #tpu.memory_space<vmem_shared>>
      %dma_wait3A_58 = arith.constant 0 : i32
      %dma_wait3A_59 = tpu.memref_slice %arg7[%multiple_of3A_22, %dma_wait3A_58] : memref<4008x256xf32, #tpu.memory_space<vmem_shared>> -> memref<128x256xf32, #tpu.memory_space<vmem_shared>>
      %dma_wait3A_60 = arith.constant 0 : i32
      %dma_wait3A_61 = arith.constant 0 : i32
      %dma_wait3A_62 = tpu.memref_slice %arg11[%dma_wait3A_60, %dma_wait3A_61] : memref<128x256xf32, #tpu.memory_space<vmem>> -> memref<128x256xf32, #tpu.memory_space<vmem>>
      tpu.wait_dma2 semaphore(%run_scoped3A : memref<!tpu.dma_semaphore, #tpu.memory_space<semaphore_mem>>) src(%dma_wait3A_62 : memref<128x256xf32, #tpu.memory_space<vmem>>) dst(%dma_wait3A_59 : memref<128x256xf32, #tpu.memory_space<vmem_shared>>)
      tpu.yield
    }) : () -> ()
    %add3A_23 = arith.constant 128 : i32
    %add3A_24 = arith.addi %multiple_of3A, %add3A_23 : i32
    %min3A_25 = arith.constant 3872 : i32
    %min3A_26 = arith.minsi %add3A_24, %min3A_25 : i32
    %multiple_of3A_27 = tpu.assume_multiple %min3A_26, 8 : i32
    "tpu.region"() ({
      %run_scoped3A = tpu.sem_alloc : memref<!tpu.dma_semaphore, #tpu.memory_space<semaphore_mem>>
      %dma_start3A = arith.constant 0 : i32
      %dma_start3A_45 = arith.constant 0 : i32
      %dma_start3A_46 = tpu.memref_slice %arg11[%dma_start3A, %dma_start3A_45] : memref<128x256xf32, #tpu.memory_space<vmem>> -> memref<128x256xf32, #tpu.memory_space<vmem>>
      %dma_start3A_47 = arith.constant 0 : i32
      %dma_start3A_48 = tpu.memref_slice %arg7[%multiple_of3A_27, %dma_start3A_47] : memref<4008x256xf32, #tpu.memory_space<vmem_shared>> -> memref<128x256xf32, #tpu.memory_space<vmem_shared>>
      %dma_start3A_49 = arith.constant 0 : i32
      %dma_start3A_50 = tpu.memref_slice %arg7[%multiple_of3A_27, %dma_start3A_49] : memref<4008x256xf32, #tpu.memory_space<vmem_shared>> -> memref<128x256xf32, #tpu.memory_space<vmem_shared>>
      %dma_start3A_51 = arith.constant 0 : i32
      %dma_start3A_52 = arith.constant 0 : i32
      %dma_start3A_53 = tpu.memref_slice %arg11[%dma_start3A_51, %dma_start3A_52] : memref<128x256xf32, #tpu.memory_space<vmem>> -> memref<128x256xf32, #tpu.memory_space<vmem>>
      tpu.enqueue_dma source(%dma_start3A_53 : memref<128x256xf32, #tpu.memory_space<vmem>>) target(%dma_start3A_50 : memref<128x256xf32, #tpu.memory_space<vmem_shared>>) target_semaphore(%run_scoped3A : memref<!tpu.dma_semaphore, #tpu.memory_space<semaphore_mem>>)
      %dma_wait3A = arith.constant 0 : i32
      %dma_wait3A_54 = arith.constant 0 : i32
      %dma_wait3A_55 = tpu.memref_slice %arg11[%dma_wait3A, %dma_wait3A_54] : memref<128x256xf32, #tpu.memory_space<vmem>> -> memref<128x256xf32, #tpu.memory_space<vmem>>
      %dma_wait3A_56 = arith.constant 0 : i32
      %dma_wait3A_57 = tpu.memref_slice %arg7[%multiple_of3A_27, %dma_wait3A_56] : memref<4008x256xf32, #tpu.memory_space<vmem_shared>> -> memref<128x256xf32, #tpu.memory_space<vmem_shared>>
      %dma_wait3A_58 = arith.constant 0 : i32
      %dma_wait3A_59 = tpu.memref_slice %arg7[%multiple_of3A_27, %dma_wait3A_58] : memref<4008x256xf32, #tpu.memory_space<vmem_shared>> -> memref<128x256xf32, #tpu.memory_space<vmem_shared>>
      %dma_wait3A_60 = arith.constant 0 : i32
      %dma_wait3A_61 = arith.constant 0 : i32
      %dma_wait3A_62 = tpu.memref_slice %arg11[%dma_wait3A_60, %dma_wait3A_61] : memref<128x256xf32, #tpu.memory_space<vmem>> -> memref<128x256xf32, #tpu.memory_space<vmem>>
      tpu.wait_dma2 semaphore(%run_scoped3A : memref<!tpu.dma_semaphore, #tpu.memory_space<semaphore_mem>>) src(%dma_wait3A_62 : memref<128x256xf32, #tpu.memory_space<vmem>>) dst(%dma_wait3A_59 : memref<128x256xf32, #tpu.memory_space<vmem_shared>>)
      tpu.yield
    }) : () -> ()
    "tpu.region"() ({
      %run_scoped3A = tpu.sem_alloc : memref<!tpu.dma_semaphore, #tpu.memory_space<semaphore_mem>>
      %dma_start3A = arith.constant 0 : i32
      %dma_start3A_45 = tpu.memref_slice %arg8[%multiple_of3A, %dma_start3A] : memref<4008x16xf32, #tpu.memory_space<vmem_shared>> -> memref<256x16xf32, #tpu.memory_space<vmem_shared>>
      %dma_start3A_46 = arith.constant 0 : i32
      %dma_start3A_47 = tpu.memref_slice %arg8[%multiple_of3A, %dma_start3A_46] : memref<4008x16xf32, #tpu.memory_space<vmem_shared>> -> memref<256x16xf32, #tpu.memory_space<vmem_shared>>
      tpu.enqueue_dma source(%arg13 : memref<256x16xf32, #tpu.memory_space<vmem>>) target(%dma_start3A_47 : memref<256x16xf32, #tpu.memory_space<vmem_shared>>) target_semaphore(%run_scoped3A : memref<!tpu.dma_semaphore, #tpu.memory_space<semaphore_mem>>)
      %dma_wait3A = arith.constant 0 : i32
      %dma_wait3A_48 = tpu.memref_slice %arg8[%multiple_of3A, %dma_wait3A] : memref<4008x16xf32, #tpu.memory_space<vmem_shared>> -> memref<256x16xf32, #tpu.memory_space<vmem_shared>>
      %dma_wait3A_49 = arith.constant 0 : i32
      %dma_wait3A_50 = tpu.memref_slice %arg8[%multiple_of3A, %dma_wait3A_49] : memref<4008x16xf32, #tpu.memory_space<vmem_shared>> -> memref<256x16xf32, #tpu.memory_space<vmem_shared>>
      tpu.wait_dma2 semaphore(%run_scoped3A : memref<!tpu.dma_semaphore, #tpu.memory_space<semaphore_mem>>) src(%arg13 : memref<256x16xf32, #tpu.memory_space<vmem>>) dst(%dma_wait3A_50 : memref<256x16xf32, #tpu.memory_space<vmem_shared>>)
      tpu.yield
    }) : () -> ()
    "tpu.region"() ({
      %run_scoped3A = tpu.sem_alloc : memref<!tpu.dma_semaphore, #tpu.memory_space<semaphore_mem>>
      %dma_start3A = arith.constant 0 : i32
      %dma_start3A_45 = arith.constant 0 : i32
      %dma_start3A_46 = tpu.memref_slice %arg3[%arg0, %arg1, %dma_start3A, %dma_start3A_45] : memref<2x16x16x128xi32, #tpu.memory_space<hbm>> -> memref<1x1x16x128xi32, #tpu.memory_space<hbm>>
      %dma_start3A_47 = tpu.memref_squeeze %dma_start3A_46 : memref<1x1x16x128xi32, #tpu.memory_space<hbm>> -> memref<16x128xi32, #tpu.memory_space<hbm>>
      %dma_start3A_48 = arith.constant 0 : i32
      %dma_start3A_49 = arith.constant 0 : i32
      %dma_start3A_50 = tpu.memref_slice %arg3[%arg0, %arg1, %dma_start3A_48, %dma_start3A_49] : memref<2x16x16x128xi32, #tpu.memory_space<hbm>> -> memref<1x1x16x128xi32, #tpu.memory_space<hbm>>
      %dma_start3A_51 = tpu.memref_squeeze %dma_start3A_50 : memref<1x1x16x128xi32, #tpu.memory_space<hbm>> -> memref<16x128xi32, #tpu.memory_space<hbm>>
      tpu.enqueue_dma source(%dma_start3A_51 : memref<16x128xi32, #tpu.memory_space<hbm>>) target(%arg9 : memref<16x128xi32, #tpu.memory_space<vmem>>) target_semaphore(%run_scoped3A : memref<!tpu.dma_semaphore, #tpu.memory_space<semaphore_mem>>)
      %dma_wait3A = arith.constant 0 : i32
      %dma_wait3A_52 = arith.constant 0 : i32
      %dma_wait3A_53 = tpu.memref_slice %arg3[%arg0, %arg1, %dma_wait3A, %dma_wait3A_52] : memref<2x16x16x128xi32, #tpu.memory_space<hbm>> -> memref<1x1x16x128xi32, #tpu.memory_space<hbm>>
      %dma_wait3A_54 = tpu.memref_squeeze %dma_wait3A_53 : memref<1x1x16x128xi32, #tpu.memory_space<hbm>> -> memref<16x128xi32, #tpu.memory_space<hbm>>
      %dma_wait3A_55 = arith.constant 0 : i32
      %dma_wait3A_56 = arith.constant 0 : i32
      %dma_wait3A_57 = tpu.memref_slice %arg3[%arg0, %arg1, %dma_wait3A_55, %dma_wait3A_56] : memref<2x16x16x128xi32, #tpu.memory_space<hbm>> -> memref<1x1x16x128xi32, #tpu.memory_space<hbm>>
      %dma_wait3A_58 = tpu.memref_squeeze %dma_wait3A_57 : memref<1x1x16x128xi32, #tpu.memory_space<hbm>> -> memref<16x128xi32, #tpu.memory_space<hbm>>
      tpu.wait_dma2 semaphore(%run_scoped3A : memref<!tpu.dma_semaphore, #tpu.memory_space<semaphore_mem>>) src(%dma_wait3A_58 : memref<16x128xi32, #tpu.memory_space<hbm>>) dst(%arg9 : memref<16x128xi32, #tpu.memory_space<vmem>>)
      tpu.yield
    }) : () -> ()
    "tpu.region"() ({
      %run_scoped3A = tpu.sem_alloc : memref<!tpu.dma_semaphore, #tpu.memory_space<semaphore_mem>>
      %dma_start3A = arith.constant 0 : i32
      %dma_start3A_45 = arith.constant 0 : i32
      %dma_start3A_46 = tpu.memref_slice %arg4[%arg0, %arg1, %dma_start3A, %dma_start3A_45] : memref<2x16x16x128xi32, #tpu.memory_space<hbm>> -> memref<1x1x16x128xi32, #tpu.memory_space<hbm>>
      %dma_start3A_47 = tpu.memref_squeeze %dma_start3A_46 : memref<1x1x16x128xi32, #tpu.memory_space<hbm>> -> memref<16x128xi32, #tpu.memory_space<hbm>>
      %dma_start3A_48 = arith.constant 0 : i32
      %dma_start3A_49 = arith.constant 0 : i32
      %dma_start3A_50 = tpu.memref_slice %arg4[%arg0, %arg1, %dma_start3A_48, %dma_start3A_49] : memref<2x16x16x128xi32, #tpu.memory_space<hbm>> -> memref<1x1x16x128xi32, #tpu.memory_space<hbm>>
      %dma_start3A_51 = tpu.memref_squeeze %dma_start3A_50 : memref<1x1x16x128xi32, #tpu.memory_space<hbm>> -> memref<16x128xi32, #tpu.memory_space<hbm>>
      tpu.enqueue_dma source(%dma_start3A_51 : memref<16x128xi32, #tpu.memory_space<hbm>>) target(%arg10 : memref<16x128xi32, #tpu.memory_space<vmem>>) target_semaphore(%run_scoped3A : memref<!tpu.dma_semaphore, #tpu.memory_space<semaphore_mem>>)
      %dma_wait3A = arith.constant 0 : i32
      %dma_wait3A_52 = arith.constant 0 : i32
      %dma_wait3A_53 = tpu.memref_slice %arg4[%arg0, %arg1, %dma_wait3A, %dma_wait3A_52] : memref<2x16x16x128xi32, #tpu.memory_space<hbm>> -> memref<1x1x16x128xi32, #tpu.memory_space<hbm>>
      %dma_wait3A_54 = tpu.memref_squeeze %dma_wait3A_53 : memref<1x1x16x128xi32, #tpu.memory_space<hbm>> -> memref<16x128xi32, #tpu.memory_space<hbm>>
      %dma_wait3A_55 = arith.constant 0 : i32
      %dma_wait3A_56 = arith.constant 0 : i32
      %dma_wait3A_57 = tpu.memref_slice %arg4[%arg0, %arg1, %dma_wait3A_55, %dma_wait3A_56] : memref<2x16x16x128xi32, #tpu.memory_space<hbm>> -> memref<1x1x16x128xi32, #tpu.memory_space<hbm>>
      %dma_wait3A_58 = tpu.memref_squeeze %dma_wait3A_57 : memref<1x1x16x128xi32, #tpu.memory_space<hbm>> -> memref<16x128xi32, #tpu.memory_space<hbm>>
      tpu.wait_dma2 semaphore(%run_scoped3A : memref<!tpu.dma_semaphore, #tpu.memory_space<semaphore_mem>>) src(%dma_wait3A_58 : memref<16x128xi32, #tpu.memory_space<hbm>>) dst(%arg10 : memref<16x128xi32, #tpu.memory_space<vmem>>)
      tpu.yield
    }) : () -> ()
    %barrier3A = arith.constant 0 : index
    tpu.barrier barrier_id(%barrier3A)
    %scan3A_28 = arith.constant 0 : i32
    %scan3A_29 = arith.constant 0 : i32
    %scan3A_30 = arith.constant 16 : i32
    %scan3A_31 = arith.addi %scan3A_29, %scan3A_30 : i32
    %scan3A_32 = arith.constant 1 : i32
    scf.for %scan3A_45 = %scan3A_29 to %scan3A_31 step %scan3A_32  : i32 {
      %dma_start3A = arith.constant 0 : i32
      %dma_start3A_46 = tpu.memref_slice %arg9[%scan3A_45, %dma_start3A] : memref<16x128xi32, #tpu.memory_space<vmem>> -> memref<1x128xi32, #tpu.memory_space<vmem>>
      %dma_start3A_47 = tpu.memref_squeeze %dma_start3A_46 : memref<1x128xi32, #tpu.memory_space<vmem>> -> memref<128xi32, #tpu.memory_space<vmem>>
      %dma_start3A_48 = arith.constant 0 : i32
      %dma_start3A_49 = arith.constant 0 : i32
      %dma_start3A_50 = tpu.memref_slice %arg2[%dma_start3A_48, %dma_start3A_49] : memref<10000x256xf32, #tpu.memory_space<hbm>> -> memref<10000x256xf32, #tpu.memory_space<hbm>>
      tpu.enqueue_indirect_dma source(%dma_start3A_50 : memref<10000x256xf32, #tpu.memory_space<hbm>>) target(%arg11 : memref<128x256xf32, #tpu.memory_space<vmem>>) offsets(%dma_start3A_47 : memref<128xi32, #tpu.memory_space<vmem>>) semaphore(%arg14 : memref<!tpu.dma_semaphore, #tpu.memory_space<semaphore_mem>>)
      %dma_wait3A = arith.constant 0 : i32
      %dma_wait3A_51 = tpu.memref_slice %arg9[%scan3A_45, %dma_wait3A] : memref<16x128xi32, #tpu.memory_space<vmem>> -> memref<1x128xi32, #tpu.memory_space<vmem>>
      %dma_wait3A_52 = tpu.memref_squeeze %dma_wait3A_51 : memref<1x128xi32, #tpu.memory_space<vmem>> -> memref<128xi32, #tpu.memory_space<vmem>>
      %dma_wait3A_53 = arith.constant 0 : i32
      %dma_wait3A_54 = arith.constant 0 : i32
      %dma_wait3A_55 = tpu.memref_slice %arg2[%dma_wait3A_53, %dma_wait3A_54] : memref<10000x256xf32, #tpu.memory_space<hbm>> -> memref<10000x256xf32, #tpu.memory_space<hbm>>
      tpu.wait_indirect_dma semaphore(%arg14 : memref<!tpu.dma_semaphore, #tpu.memory_space<semaphore_mem>>) src(%dma_wait3A_55 : memref<10000x256xf32, #tpu.memory_space<hbm>>) dst(%arg11 : memref<128x256xf32, #tpu.memory_space<vmem>>)
      "tpu.region"() ({
        %run_scoped3A = tpu.sem_alloc : memref<!tpu.dma_semaphore, #tpu.memory_space<semaphore_mem>>
        %dma_start3A_56 = arith.constant 0 : i32
        %dma_start3A_57 = tpu.memref_slice %arg10[%scan3A_45, %dma_start3A_56] : memref<16x128xi32, #tpu.memory_space<vmem>> -> memref<1x128xi32, #tpu.memory_space<vmem>>
        %dma_start3A_58 = tpu.memref_squeeze %dma_start3A_57 : memref<1x128xi32, #tpu.memory_space<vmem>> -> memref<128xi32, #tpu.memory_space<vmem>>
        %dma_start3A_59 = arith.constant 0 : i32
        %dma_start3A_60 = arith.constant 0 : i32
        %dma_start3A_61 = tpu.memref_slice %arg7[%dma_start3A_59, %dma_start3A_60] : memref<4008x256xf32, #tpu.memory_space<vmem_shared>> -> memref<4008x256xf32, #tpu.memory_space<vmem_shared>>
        tpu.enqueue_indirect_dma source(%arg11 : memref<128x256xf32, #tpu.memory_space<vmem>>) target(%dma_start3A_61 : memref<4008x256xf32, #tpu.memory_space<vmem_shared>>) offsets(%dma_start3A_58 : memref<128xi32, #tpu.memory_space<vmem>>) semaphore(%run_scoped3A : memref<!tpu.dma_semaphore, #tpu.memory_space<semaphore_mem>>) {add = true}
        %dma_wait3A_62 = arith.constant 0 : i32
        %dma_wait3A_63 = tpu.memref_slice %arg10[%scan3A_45, %dma_wait3A_62] : memref<16x128xi32, #tpu.memory_space<vmem>> -> memref<1x128xi32, #tpu.memory_space<vmem>>
        %dma_wait3A_64 = tpu.memref_squeeze %dma_wait3A_63 : memref<1x128xi32, #tpu.memory_space<vmem>> -> memref<128xi32, #tpu.memory_space<vmem>>
        %dma_wait3A_65 = arith.constant 0 : i32
        %dma_wait3A_66 = arith.constant 0 : i32
        %dma_wait3A_67 = tpu.memref_slice %arg7[%dma_wait3A_65, %dma_wait3A_66] : memref<4008x256xf32, #tpu.memory_space<vmem_shared>> -> memref<4008x256xf32, #tpu.memory_space<vmem_shared>>
        tpu.wait_indirect_dma semaphore(%run_scoped3A : memref<!tpu.dma_semaphore, #tpu.memory_space<semaphore_mem>>) src(%arg11 : memref<128x256xf32, #tpu.memory_space<vmem>>) dst(%dma_wait3A_67 : memref<4008x256xf32, #tpu.memory_space<vmem_shared>>)
        tpu.yield
      }) : () -> ()
      "tpu.region"() ({
        %run_scoped3A = tpu.sem_alloc : memref<!tpu.dma_semaphore, #tpu.memory_space<semaphore_mem>>
        %dma_start3A_56 = arith.constant 0 : i32
        %dma_start3A_57 = tpu.memref_slice %arg10[%scan3A_45, %dma_start3A_56] : memref<16x128xi32, #tpu.memory_space<vmem>> -> memref<1x128xi32, #tpu.memory_space<vmem>>
        %dma_start3A_58 = tpu.memref_squeeze %dma_start3A_57 : memref<1x128xi32, #tpu.memory_space<vmem>> -> memref<128xi32, #tpu.memory_space<vmem>>
        %dma_start3A_59 = arith.constant 0 : i32
        %dma_start3A_60 = arith.constant 0 : i32
        %dma_start3A_61 = tpu.memref_slice %arg8[%dma_start3A_59, %dma_start3A_60] : memref<4008x16xf32, #tpu.memory_space<vmem_shared>> -> memref<4008x16xf32, #tpu.memory_space<vmem_shared>>
        tpu.enqueue_indirect_dma source(%arg12 : memref<128x16xf32, #tpu.memory_space<vmem>>) target(%dma_start3A_61 : memref<4008x16xf32, #tpu.memory_space<vmem_shared>>) offsets(%dma_start3A_58 : memref<128xi32, #tpu.memory_space<vmem>>) semaphore(%run_scoped3A : memref<!tpu.dma_semaphore, #tpu.memory_space<semaphore_mem>>) {add = true}
        %dma_wait3A_62 = arith.constant 0 : i32
        %dma_wait3A_63 = tpu.memref_slice %arg10[%scan3A_45, %dma_wait3A_62] : memref<16x128xi32, #tpu.memory_space<vmem>> -> memref<1x128xi32, #tpu.memory_space<vmem>>
        %dma_wait3A_64 = tpu.memref_squeeze %dma_wait3A_63 : memref<1x128xi32, #tpu.memory_space<vmem>> -> memref<128xi32, #tpu.memory_space<vmem>>
        %dma_wait3A_65 = arith.constant 0 : i32
        %dma_wait3A_66 = arith.constant 0 : i32
        %dma_wait3A_67 = tpu.memref_slice %arg8[%dma_wait3A_65, %dma_wait3A_66] : memref<4008x16xf32, #tpu.memory_space<vmem_shared>> -> memref<4008x16xf32, #tpu.memory_space<vmem_shared>>
        tpu.wait_indirect_dma semaphore(%run_scoped3A : memref<!tpu.dma_semaphore, #tpu.memory_space<semaphore_mem>>) src(%arg12 : memref<128x16xf32, #tpu.memory_space<vmem>>) dst(%dma_wait3A_67 : memref<4008x16xf32, #tpu.memory_space<vmem_shared>>)
        tpu.yield
      }) : () -> ()
    }
    %scan3A_33 = arith.constant 16 : i32
    %barrier3A_34 = arith.constant 0 : index
    tpu.barrier barrier_id(%barrier3A_34)
    %add3A_35 = arith.constant 0 : i32
    %add3A_36 = arith.addi %multiple_of3A, %add3A_35 : i32
    %min3A_37 = arith.constant 3872 : i32
    %min3A_38 = arith.minsi %add3A_36, %min3A_37 : i32
    %multiple_of3A_39 = tpu.assume_multiple %min3A_38, 8 : i32
    "tpu.region"() ({
      %run_scoped3A = tpu.sem_alloc : memref<!tpu.dma_semaphore, #tpu.memory_space<semaphore_mem>>
      %dma_start3A = arith.constant 0 : i32
      %dma_start3A_45 = tpu.memref_slice %arg5[%arg0, %multiple_of3A_39, %dma_start3A] : memref<2x4000x256xf32, #tpu.memory_space<hbm>> -> memref<1x128x256xf32, #tpu.memory_space<hbm>>
      %dma_start3A_46 = tpu.memref_squeeze %dma_start3A_45 : memref<1x128x256xf32, #tpu.memory_space<hbm>> -> memref<128x256xf32, #tpu.memory_space<hbm>>
      %dma_start3A_47 = arith.constant 0 : i32
      %dma_start3A_48 = tpu.memref_slice %arg7[%multiple_of3A_39, %dma_start3A_47] : memref<4008x256xf32, #tpu.memory_space<vmem_shared>> -> memref<128x256xf32, #tpu.memory_space<vmem_shared>>
      tpu.enqueue_dma source(%dma_start3A_48 : memref<128x256xf32, #tpu.memory_space<vmem_shared>>) target(%dma_start3A_46 : memref<128x256xf32, #tpu.memory_space<hbm>>) target_semaphore(%run_scoped3A : memref<!tpu.dma_semaphore, #tpu.memory_space<semaphore_mem>>)
      %dma_wait3A = arith.constant 0 : i32
      %dma_wait3A_49 = tpu.memref_slice %arg5[%arg0, %multiple_of3A_39, %dma_wait3A] : memref<2x4000x256xf32, #tpu.memory_space<hbm>> -> memref<1x128x256xf32, #tpu.memory_space<hbm>>
      %dma_wait3A_50 = tpu.memref_squeeze %dma_wait3A_49 : memref<1x128x256xf32, #tpu.memory_space<hbm>> -> memref<128x256xf32, #tpu.memory_space<hbm>>
      %dma_wait3A_51 = arith.constant 0 : i32
      %dma_wait3A_52 = tpu.memref_slice %arg7[%multiple_of3A_39, %dma_wait3A_51] : memref<4008x256xf32, #tpu.memory_space<vmem_shared>> -> memref<128x256xf32, #tpu.memory_space<vmem_shared>>
      tpu.wait_dma2 semaphore(%run_scoped3A : memref<!tpu.dma_semaphore, #tpu.memory_space<semaphore_mem>>) src(%dma_wait3A_52 : memref<128x256xf32, #tpu.memory_space<vmem_shared>>) dst(%dma_wait3A_50 : memref<128x256xf32, #tpu.memory_space<hbm>>)
      tpu.yield
    }) : () -> ()
    %add3A_40 = arith.constant 128 : i32
    %add3A_41 = arith.addi %multiple_of3A, %add3A_40 : i32
    %min3A_42 = arith.constant 3872 : i32
    %min3A_43 = arith.minsi %add3A_41, %min3A_42 : i32
    %multiple_of3A_44 = tpu.assume_multiple %min3A_43, 8 : i32
    "tpu.region"() ({
      %run_scoped3A = tpu.sem_alloc : memref<!tpu.dma_semaphore, #tpu.memory_space<semaphore_mem>>
      %dma_start3A = arith.constant 0 : i32
      %dma_start3A_45 = tpu.memref_slice %arg5[%arg0, %multiple_of3A_44, %dma_start3A] : memref<2x4000x256xf32, #tpu.memory_space<hbm>> -> memref<1x128x256xf32, #tpu.memory_space<hbm>>
      %dma_start3A_46 = tpu.memref_squeeze %dma_start3A_45 : memref<1x128x256xf32, #tpu.memory_space<hbm>> -> memref<128x256xf32, #tpu.memory_space<hbm>>
      %dma_start3A_47 = arith.constant 0 : i32
      %dma_start3A_48 = tpu.memref_slice %arg7[%multiple_of3A_44, %dma_start3A_47] : memref<4008x256xf32, #tpu.memory_space<vmem_shared>> -> memref<128x256xf32, #tpu.memory_space<vmem_shared>>
      tpu.enqueue_dma source(%dma_start3A_48 : memref<128x256xf32, #tpu.memory_space<vmem_shared>>) target(%dma_start3A_46 : memref<128x256xf32, #tpu.memory_space<hbm>>) target_semaphore(%run_scoped3A : memref<!tpu.dma_semaphore, #tpu.memory_space<semaphore_mem>>)
      %dma_wait3A = arith.constant 0 : i32
      %dma_wait3A_49 = tpu.memref_slice %arg5[%arg0, %multiple_of3A_44, %dma_wait3A] : memref<2x4000x256xf32, #tpu.memory_space<hbm>> -> memref<1x128x256xf32, #tpu.memory_space<hbm>>
      %dma_wait3A_50 = tpu.memref_squeeze %dma_wait3A_49 : memref<1x128x256xf32, #tpu.memory_space<hbm>> -> memref<128x256xf32, #tpu.memory_space<hbm>>
      %dma_wait3A_51 = arith.constant 0 : i32
      %dma_wait3A_52 = tpu.memref_slice %arg7[%multiple_of3A_44, %dma_wait3A_51] : memref<4008x256xf32, #tpu.memory_space<vmem_shared>> -> memref<128x256xf32, #tpu.memory_space<vmem_shared>>
      tpu.wait_dma2 semaphore(%run_scoped3A : memref<!tpu.dma_semaphore, #tpu.memory_space<semaphore_mem>>) src(%dma_wait3A_52 : memref<128x256xf32, #tpu.memory_space<vmem_shared>>) dst(%dma_wait3A_50 : memref<128x256xf32, #tpu.memory_space<hbm>>)
      tpu.yield
    }) : () -> ()
    "tpu.region"() ({
      %run_scoped3A = tpu.sem_alloc : memref<!tpu.dma_semaphore, #tpu.memory_space<semaphore_mem>>
      %dma_start3A = arith.constant 0 : i32
      %dma_start3A_45 = tpu.memref_slice %arg6[%arg0, %multiple_of3A, %dma_start3A] : memref<2x4000x16xf32, #tpu.memory_space<hbm>> -> memref<1x256x16xf32, #tpu.memory_space<hbm>>
      %dma_start3A_46 = tpu.memref_squeeze %dma_start3A_45 : memref<1x256x16xf32, #tpu.memory_space<hbm>> -> memref<256x16xf32, #tpu.memory_space<hbm>>
      %dma_start3A_47 = arith.constant 0 : i32
      %dma_start3A_48 = tpu.memref_slice %arg8[%multiple_of3A, %dma_start3A_47] : memref<4008x16xf32, #tpu.memory_space<vmem_shared>> -> memref<256x16xf32, #tpu.memory_space<vmem_shared>>
      tpu.enqueue_dma source(%dma_start3A_48 : memref<256x16xf32, #tpu.memory_space<vmem_shared>>) target(%dma_start3A_46 : memref<256x16xf32, #tpu.memory_space<hbm>>) target_semaphore(%run_scoped3A : memref<!tpu.dma_semaphore, #tpu.memory_space<semaphore_mem>>)
      %dma_wait3A = arith.constant 0 : i32
      %dma_wait3A_49 = tpu.memref_slice %arg6[%arg0, %multiple_of3A, %dma_wait3A] : memref<2x4000x16xf32, #tpu.memory_space<hbm>> -> memref<1x256x16xf32, #tpu.memory_space<hbm>>
      %dma_wait3A_50 = tpu.memref_squeeze %dma_wait3A_49 : memref<1x256x16xf32, #tpu.memory_space<hbm>> -> memref<256x16xf32, #tpu.memory_space<hbm>>
      %dma_wait3A_51 = arith.constant 0 : i32
      %dma_wait3A_52 = tpu.memref_slice %arg8[%multiple_of3A, %dma_wait3A_51] : memref<4008x16xf32, #tpu.memory_space<vmem_shared>> -> memref<256x16xf32, #tpu.memory_space<vmem_shared>>
      tpu.wait_dma2 semaphore(%run_scoped3A : memref<!tpu.dma_semaphore, #tpu.memory_space<semaphore_mem>>) src(%dma_wait3A_52 : memref<256x16xf32, #tpu.memory_space<vmem_shared>>) dst(%dma_wait3A_50 : memref<256x16xf32, #tpu.memory_space<hbm>>)
      tpu.yield
    }) : () -> ()
    return
  }
}

#map = affine_map<(d0, d1) -> (0, 0)>
#map1 = affine_map<(d0, d1) -> (0, 0, 0, 0)>
#map2 = affine_map<(d0, d1) -> (0, 0, 0)>
module attributes {stable_mosaic.version = 14 : i64} {
  func.func @agg(%arg0: i32, %arg1: i32, %arg2: memref<4000x512xf32, #tpu.memory_space<hbm>>, %arg3: memref<2x16x4x128xi32, #tpu.memory_space<hbm>>, %arg4: memref<2x16x4x128xi32, #tpu.memory_space<hbm>>, %arg5: memref<2x1000x512xf32, #tpu.memory_space<hbm>>, %arg6: memref<2x1000x16xf32, #tpu.memory_space<hbm>>, %arg7: memref<1008x512xf32, #tpu.memory_space<vmem_shared>>, %arg8: memref<1008x16xf32, #tpu.memory_space<vmem_shared>>, %arg9: memref<4x128xi32, #tpu.memory_space<vmem>>, %arg10: memref<4x128xi32, #tpu.memory_space<vmem>>, %arg11: memref<128x512xf32, #tpu.memory_space<vmem>>, %arg12: memref<128x16xf32, #tpu.memory_space<vmem>>, %arg13: memref<64x16xf32, #tpu.memory_space<vmem>>, %arg14: memref<!tpu.dma_semaphore, #tpu.memory_space<semaphore_mem>>) attributes {dimension_semantics = [#tpu.dimension_semantics<core_parallel>, #tpu.dimension_semantics<subcore_parallel>], iteration_bounds = array<i64: 2, 16>, scalar_prefetch = 0 : i64, scratch_operands = 8 : i64, tpu.core_type = #tpu.core_type<sc_vector_subcore>, window_params = [{transform_indices = #map}, {transform_indices = #map1}, {transform_indices = #map1}, {transform_indices = #map2}, {transform_indices = #map2}]} {
    %scan3A = arith.constant 0 : i32
    %scan3A_0 = arith.constant 0 : i32
    %scan3A_1 = arith.constant 128 : i32
    %scan3A_2 = arith.addi %scan3A_0, %scan3A_1 : i32
    %scan3A_3 = arith.constant 1 : i32
    scf.for %scan3A_35 = %scan3A_0 to %scan3A_2 step %scan3A_3  : i32 {
      %broadcast_in_dim3A = arith.constant 0.000000e+00 : f32
      %broadcast_in_dim3A_36 = vector.broadcast %broadcast_in_dim3A : f32 to vector<16xf32>
      %swap3A = arith.index_cast %scan3A_35 : i32 to index
      %swap3A_37 = arith.constant 0 : index
      %swap3A_38 = tpu.vector_load %arg11[%swap3A, %swap3A_37] {strides = array<i32>} : memref<128x512xf32, #tpu.memory_space<vmem>>, vector<1x16xf32>,
      %swap3A_39 = vector.shape_cast %swap3A_38 : vector<1x16xf32> to vector<16xf32>
      %swap3A_40 = vector.shape_cast %broadcast_in_dim3A_36 : vector<16xf32> to vector<1x16xf32>
      tpu.vector_store %arg11[%swap3A, %swap3A_37], %swap3A_40 {strides = array<i32>} : memref<128x512xf32, #tpu.memory_space<vmem>>, vector<1x16xf32>,
      %broadcast_in_dim3A_41 = arith.constant 0.000000e+00 : f32
      %broadcast_in_dim3A_42 = vector.broadcast %broadcast_in_dim3A_41 : f32 to vector<16xf32>
      %swap3A_43 = arith.index_cast %scan3A_35 : i32 to index
      %swap3A_44 = arith.constant 16 : index
      %swap3A_45 = tpu.vector_load %arg11[%swap3A_43, %swap3A_44] {strides = array<i32>} : memref<128x512xf32, #tpu.memory_space<vmem>>, vector<1x16xf32>,
      %swap3A_46 = vector.shape_cast %swap3A_45 : vector<1x16xf32> to vector<16xf32>
      %swap3A_47 = vector.shape_cast %broadcast_in_dim3A_42 : vector<16xf32> to vector<1x16xf32>
      tpu.vector_store %arg11[%swap3A_43, %swap3A_44], %swap3A_47 {strides = array<i32>} : memref<128x512xf32, #tpu.memory_space<vmem>>, vector<1x16xf32>,
      %broadcast_in_dim3A_48 = arith.constant 0.000000e+00 : f32
      %broadcast_in_dim3A_49 = vector.broadcast %broadcast_in_dim3A_48 : f32 to vector<16xf32>
      %swap3A_50 = arith.index_cast %scan3A_35 : i32 to index
      %swap3A_51 = arith.constant 32 : index
      %swap3A_52 = tpu.vector_load %arg11[%swap3A_50, %swap3A_51] {strides = array<i32>} : memref<128x512xf32, #tpu.memory_space<vmem>>, vector<1x16xf32>,
      %swap3A_53 = vector.shape_cast %swap3A_52 : vector<1x16xf32> to vector<16xf32>
      %swap3A_54 = vector.shape_cast %broadcast_in_dim3A_49 : vector<16xf32> to vector<1x16xf32>
      tpu.vector_store %arg11[%swap3A_50, %swap3A_51], %swap3A_54 {strides = array<i32>} : memref<128x512xf32, #tpu.memory_space<vmem>>, vector<1x16xf32>,
      %broadcast_in_dim3A_55 = arith.constant 0.000000e+00 : f32
      %broadcast_in_dim3A_56 = vector.broadcast %broadcast_in_dim3A_55 : f32 to vector<16xf32>
      %swap3A_57 = arith.index_cast %scan3A_35 : i32 to index
      %swap3A_58 = arith.constant 48 : index
      %swap3A_59 = tpu.vector_load %arg11[%swap3A_57, %swap3A_58] {strides = array<i32>} : memref<128x512xf32, #tpu.memory_space<vmem>>, vector<1x16xf32>,
      %swap3A_60 = vector.shape_cast %swap3A_59 : vector<1x16xf32> to vector<16xf32>
      %swap3A_61 = vector.shape_cast %broadcast_in_dim3A_56 : vector<16xf32> to vector<1x16xf32>
      tpu.vector_store %arg11[%swap3A_57, %swap3A_58], %swap3A_61 {strides = array<i32>} : memref<128x512xf32, #tpu.memory_space<vmem>>, vector<1x16xf32>,
      %broadcast_in_dim3A_62 = arith.constant 0.000000e+00 : f32
      %broadcast_in_dim3A_63 = vector.broadcast %broadcast_in_dim3A_62 : f32 to vector<16xf32>
      %swap3A_64 = arith.index_cast %scan3A_35 : i32 to index
      %swap3A_65 = arith.constant 64 : index
      %swap3A_66 = tpu.vector_load %arg11[%swap3A_64, %swap3A_65] {strides = array<i32>} : memref<128x512xf32, #tpu.memory_space<vmem>>, vector<1x16xf32>,
      %swap3A_67 = vector.shape_cast %swap3A_66 : vector<1x16xf32> to vector<16xf32>
      %swap3A_68 = vector.shape_cast %broadcast_in_dim3A_63 : vector<16xf32> to vector<1x16xf32>
      tpu.vector_store %arg11[%swap3A_64, %swap3A_65], %swap3A_68 {strides = array<i32>} : memref<128x512xf32, #tpu.memory_space<vmem>>, vector<1x16xf32>,
      %broadcast_in_dim3A_69 = arith.constant 0.000000e+00 : f32
      %broadcast_in_dim3A_70 = vector.broadcast %broadcast_in_dim3A_69 : f32 to vector<16xf32>
      %swap3A_71 = arith.index_cast %scan3A_35 : i32 to index
      %swap3A_72 = arith.constant 80 : index
      %swap3A_73 = tpu.vector_load %arg11[%swap3A_71, %swap3A_72] {strides = array<i32>} : memref<128x512xf32, #tpu.memory_space<vmem>>, vector<1x16xf32>,
      %swap3A_74 = vector.shape_cast %swap3A_73 : vector<1x16xf32> to vector<16xf32>
      %swap3A_75 = vector.shape_cast %broadcast_in_dim3A_70 : vector<16xf32> to vector<1x16xf32>
      tpu.vector_store %arg11[%swap3A_71, %swap3A_72], %swap3A_75 {strides = array<i32>} : memref<128x512xf32, #tpu.memory_space<vmem>>, vector<1x16xf32>,
      %broadcast_in_dim3A_76 = arith.constant 0.000000e+00 : f32
      %broadcast_in_dim3A_77 = vector.broadcast %broadcast_in_dim3A_76 : f32 to vector<16xf32>
      %swap3A_78 = arith.index_cast %scan3A_35 : i32 to index
      %swap3A_79 = arith.constant 96 : index
      %swap3A_80 = tpu.vector_load %arg11[%swap3A_78, %swap3A_79] {strides = array<i32>} : memref<128x512xf32, #tpu.memory_space<vmem>>, vector<1x16xf32>,
      %swap3A_81 = vector.shape_cast %swap3A_80 : vector<1x16xf32> to vector<16xf32>
      %swap3A_82 = vector.shape_cast %broadcast_in_dim3A_77 : vector<16xf32> to vector<1x16xf32>
      tpu.vector_store %arg11[%swap3A_78, %swap3A_79], %swap3A_82 {strides = array<i32>} : memref<128x512xf32, #tpu.memory_space<vmem>>, vector<1x16xf32>,
      %broadcast_in_dim3A_83 = arith.constant 0.000000e+00 : f32
      %broadcast_in_dim3A_84 = vector.broadcast %broadcast_in_dim3A_83 : f32 to vector<16xf32>
      %swap3A_85 = arith.index_cast %scan3A_35 : i32 to index
      %swap3A_86 = arith.constant 112 : index
      %swap3A_87 = tpu.vector_load %arg11[%swap3A_85, %swap3A_86] {strides = array<i32>} : memref<128x512xf32, #tpu.memory_space<vmem>>, vector<1x16xf32>,
      %swap3A_88 = vector.shape_cast %swap3A_87 : vector<1x16xf32> to vector<16xf32>
      %swap3A_89 = vector.shape_cast %broadcast_in_dim3A_84 : vector<16xf32> to vector<1x16xf32>
      tpu.vector_store %arg11[%swap3A_85, %swap3A_86], %swap3A_89 {strides = array<i32>} : memref<128x512xf32, #tpu.memory_space<vmem>>, vector<1x16xf32>,
      %broadcast_in_dim3A_90 = arith.constant 0.000000e+00 : f32
      %broadcast_in_dim3A_91 = vector.broadcast %broadcast_in_dim3A_90 : f32 to vector<16xf32>
      %swap3A_92 = arith.index_cast %scan3A_35 : i32 to index
      %swap3A_93 = arith.constant 128 : index
      %swap3A_94 = tpu.vector_load %arg11[%swap3A_92, %swap3A_93] {strides = array<i32>} : memref<128x512xf32, #tpu.memory_space<vmem>>, vector<1x16xf32>,
      %swap3A_95 = vector.shape_cast %swap3A_94 : vector<1x16xf32> to vector<16xf32>
      %swap3A_96 = vector.shape_cast %broadcast_in_dim3A_91 : vector<16xf32> to vector<1x16xf32>
      tpu.vector_store %arg11[%swap3A_92, %swap3A_93], %swap3A_96 {strides = array<i32>} : memref<128x512xf32, #tpu.memory_space<vmem>>, vector<1x16xf32>,
      %broadcast_in_dim3A_97 = arith.constant 0.000000e+00 : f32
      %broadcast_in_dim3A_98 = vector.broadcast %broadcast_in_dim3A_97 : f32 to vector<16xf32>
      %swap3A_99 = arith.index_cast %scan3A_35 : i32 to index
      %swap3A_100 = arith.constant 144 : index
      %swap3A_101 = tpu.vector_load %arg11[%swap3A_99, %swap3A_100] {strides = array<i32>} : memref<128x512xf32, #tpu.memory_space<vmem>>, vector<1x16xf32>,
      %swap3A_102 = vector.shape_cast %swap3A_101 : vector<1x16xf32> to vector<16xf32>
      %swap3A_103 = vector.shape_cast %broadcast_in_dim3A_98 : vector<16xf32> to vector<1x16xf32>
      tpu.vector_store %arg11[%swap3A_99, %swap3A_100], %swap3A_103 {strides = array<i32>} : memref<128x512xf32, #tpu.memory_space<vmem>>, vector<1x16xf32>,
      %broadcast_in_dim3A_104 = arith.constant 0.000000e+00 : f32
      %broadcast_in_dim3A_105 = vector.broadcast %broadcast_in_dim3A_104 : f32 to vector<16xf32>
      %swap3A_106 = arith.index_cast %scan3A_35 : i32 to index
      %swap3A_107 = arith.constant 160 : index
      %swap3A_108 = tpu.vector_load %arg11[%swap3A_106, %swap3A_107] {strides = array<i32>} : memref<128x512xf32, #tpu.memory_space<vmem>>, vector<1x16xf32>,
      %swap3A_109 = vector.shape_cast %swap3A_108 : vector<1x16xf32> to vector<16xf32>
      %swap3A_110 = vector.shape_cast %broadcast_in_dim3A_105 : vector<16xf32> to vector<1x16xf32>
      tpu.vector_store %arg11[%swap3A_106, %swap3A_107], %swap3A_110 {strides = array<i32>} : memref<128x512xf32, #tpu.memory_space<vmem>>, vector<1x16xf32>,
      %broadcast_in_dim3A_111 = arith.constant 0.000000e+00 : f32
      %broadcast_in_dim3A_112 = vector.broadcast %broadcast_in_dim3A_111 : f32 to vector<16xf32>
      %swap3A_113 = arith.index_cast %scan3A_35 : i32 to index
      %swap3A_114 = arith.constant 176 : index
      %swap3A_115 = tpu.vector_load %arg11[%swap3A_113, %swap3A_114] {strides = array<i32>} : memref<128x512xf32, #tpu.memory_space<vmem>>, vector<1x16xf32>,
      %swap3A_116 = vector.shape_cast %swap3A_115 : vector<1x16xf32> to vector<16xf32>
      %swap3A_117 = vector.shape_cast %broadcast_in_dim3A_112 : vector<16xf32> to vector<1x16xf32>
      tpu.vector_store %arg11[%swap3A_113, %swap3A_114], %swap3A_117 {strides = array<i32>} : memref<128x512xf32, #tpu.memory_space<vmem>>, vector<1x16xf32>,
      %broadcast_in_dim3A_118 = arith.constant 0.000000e+00 : f32
      %broadcast_in_dim3A_119 = vector.broadcast %broadcast_in_dim3A_118 : f32 to vector<16xf32>
      %swap3A_120 = arith.index_cast %scan3A_35 : i32 to index
      %swap3A_121 = arith.constant 192 : index
      %swap3A_122 = tpu.vector_load %arg11[%swap3A_120, %swap3A_121] {strides = array<i32>} : memref<128x512xf32, #tpu.memory_space<vmem>>, vector<1x16xf32>,
      %swap3A_123 = vector.shape_cast %swap3A_122 : vector<1x16xf32> to vector<16xf32>
      %swap3A_124 = vector.shape_cast %broadcast_in_dim3A_119 : vector<16xf32> to vector<1x16xf32>
      tpu.vector_store %arg11[%swap3A_120, %swap3A_121], %swap3A_124 {strides = array<i32>} : memref<128x512xf32, #tpu.memory_space<vmem>>, vector<1x16xf32>,
      %broadcast_in_dim3A_125 = arith.constant 0.000000e+00 : f32
      %broadcast_in_dim3A_126 = vector.broadcast %broadcast_in_dim3A_125 : f32 to vector<16xf32>
      %swap3A_127 = arith.index_cast %scan3A_35 : i32 to index
      %swap3A_128 = arith.constant 208 : index
      %swap3A_129 = tpu.vector_load %arg11[%swap3A_127, %swap3A_128] {strides = array<i32>} : memref<128x512xf32, #tpu.memory_space<vmem>>, vector<1x16xf32>,
      %swap3A_130 = vector.shape_cast %swap3A_129 : vector<1x16xf32> to vector<16xf32>
      %swap3A_131 = vector.shape_cast %broadcast_in_dim3A_126 : vector<16xf32> to vector<1x16xf32>
      tpu.vector_store %arg11[%swap3A_127, %swap3A_128], %swap3A_131 {strides = array<i32>} : memref<128x512xf32, #tpu.memory_space<vmem>>, vector<1x16xf32>,
      %broadcast_in_dim3A_132 = arith.constant 0.000000e+00 : f32
      %broadcast_in_dim3A_133 = vector.broadcast %broadcast_in_dim3A_132 : f32 to vector<16xf32>
      %swap3A_134 = arith.index_cast %scan3A_35 : i32 to index
      %swap3A_135 = arith.constant 224 : index
      %swap3A_136 = tpu.vector_load %arg11[%swap3A_134, %swap3A_135] {strides = array<i32>} : memref<128x512xf32, #tpu.memory_space<vmem>>, vector<1x16xf32>,
      %swap3A_137 = vector.shape_cast %swap3A_136 : vector<1x16xf32> to vector<16xf32>
      %swap3A_138 = vector.shape_cast %broadcast_in_dim3A_133 : vector<16xf32> to vector<1x16xf32>
      tpu.vector_store %arg11[%swap3A_134, %swap3A_135], %swap3A_138 {strides = array<i32>} : memref<128x512xf32, #tpu.memory_space<vmem>>, vector<1x16xf32>,
      %broadcast_in_dim3A_139 = arith.constant 0.000000e+00 : f32
      %broadcast_in_dim3A_140 = vector.broadcast %broadcast_in_dim3A_139 : f32 to vector<16xf32>
      %swap3A_141 = arith.index_cast %scan3A_35 : i32 to index
      %swap3A_142 = arith.constant 240 : index
      %swap3A_143 = tpu.vector_load %arg11[%swap3A_141, %swap3A_142] {strides = array<i32>} : memref<128x512xf32, #tpu.memory_space<vmem>>, vector<1x16xf32>,
      %swap3A_144 = vector.shape_cast %swap3A_143 : vector<1x16xf32> to vector<16xf32>
      %swap3A_145 = vector.shape_cast %broadcast_in_dim3A_140 : vector<16xf32> to vector<1x16xf32>
      tpu.vector_store %arg11[%swap3A_141, %swap3A_142], %swap3A_145 {strides = array<i32>} : memref<128x512xf32, #tpu.memory_space<vmem>>, vector<1x16xf32>,
      %broadcast_in_dim3A_146 = arith.constant 0.000000e+00 : f32
      %broadcast_in_dim3A_147 = vector.broadcast %broadcast_in_dim3A_146 : f32 to vector<16xf32>
      %swap3A_148 = arith.index_cast %scan3A_35 : i32 to index
      %swap3A_149 = arith.constant 256 : index
      %swap3A_150 = tpu.vector_load %arg11[%swap3A_148, %swap3A_149] {strides = array<i32>} : memref<128x512xf32, #tpu.memory_space<vmem>>, vector<1x16xf32>,
      %swap3A_151 = vector.shape_cast %swap3A_150 : vector<1x16xf32> to vector<16xf32>
      %swap3A_152 = vector.shape_cast %broadcast_in_dim3A_147 : vector<16xf32> to vector<1x16xf32>
      tpu.vector_store %arg11[%swap3A_148, %swap3A_149], %swap3A_152 {strides = array<i32>} : memref<128x512xf32, #tpu.memory_space<vmem>>, vector<1x16xf32>,
      %broadcast_in_dim3A_153 = arith.constant 0.000000e+00 : f32
      %broadcast_in_dim3A_154 = vector.broadcast %broadcast_in_dim3A_153 : f32 to vector<16xf32>
      %swap3A_155 = arith.index_cast %scan3A_35 : i32 to index
      %swap3A_156 = arith.constant 272 : index
      %swap3A_157 = tpu.vector_load %arg11[%swap3A_155, %swap3A_156] {strides = array<i32>} : memref<128x512xf32, #tpu.memory_space<vmem>>, vector<1x16xf32>,
      %swap3A_158 = vector.shape_cast %swap3A_157 : vector<1x16xf32> to vector<16xf32>
      %swap3A_159 = vector.shape_cast %broadcast_in_dim3A_154 : vector<16xf32> to vector<1x16xf32>
      tpu.vector_store %arg11[%swap3A_155, %swap3A_156], %swap3A_159 {strides = array<i32>} : memref<128x512xf32, #tpu.memory_space<vmem>>, vector<1x16xf32>,
      %broadcast_in_dim3A_160 = arith.constant 0.000000e+00 : f32
      %broadcast_in_dim3A_161 = vector.broadcast %broadcast_in_dim3A_160 : f32 to vector<16xf32>
      %swap3A_162 = arith.index_cast %scan3A_35 : i32 to index
      %swap3A_163 = arith.constant 288 : index
      %swap3A_164 = tpu.vector_load %arg11[%swap3A_162, %swap3A_163] {strides = array<i32>} : memref<128x512xf32, #tpu.memory_space<vmem>>, vector<1x16xf32>,
      %swap3A_165 = vector.shape_cast %swap3A_164 : vector<1x16xf32> to vector<16xf32>
      %swap3A_166 = vector.shape_cast %broadcast_in_dim3A_161 : vector<16xf32> to vector<1x16xf32>
      tpu.vector_store %arg11[%swap3A_162, %swap3A_163], %swap3A_166 {strides = array<i32>} : memref<128x512xf32, #tpu.memory_space<vmem>>, vector<1x16xf32>,
      %broadcast_in_dim3A_167 = arith.constant 0.000000e+00 : f32
      %broadcast_in_dim3A_168 = vector.broadcast %broadcast_in_dim3A_167 : f32 to vector<16xf32>
      %swap3A_169 = arith.index_cast %scan3A_35 : i32 to index
      %swap3A_170 = arith.constant 304 : index
      %swap3A_171 = tpu.vector_load %arg11[%swap3A_169, %swap3A_170] {strides = array<i32>} : memref<128x512xf32, #tpu.memory_space<vmem>>, vector<1x16xf32>,
      %swap3A_172 = vector.shape_cast %swap3A_171 : vector<1x16xf32> to vector<16xf32>
      %swap3A_173 = vector.shape_cast %broadcast_in_dim3A_168 : vector<16xf32> to vector<1x16xf32>
      tpu.vector_store %arg11[%swap3A_169, %swap3A_170], %swap3A_173 {strides = array<i32>} : memref<128x512xf32, #tpu.memory_space<vmem>>, vector<1x16xf32>,
      %broadcast_in_dim3A_174 = arith.constant 0.000000e+00 : f32
      %broadcast_in_dim3A_175 = vector.broadcast %broadcast_in_dim3A_174 : f32 to vector<16xf32>
      %swap3A_176 = arith.index_cast %scan3A_35 : i32 to index
      %swap3A_177 = arith.constant 320 : index
      %swap3A_178 = tpu.vector_load %arg11[%swap3A_176, %swap3A_177] {strides = array<i32>} : memref<128x512xf32, #tpu.memory_space<vmem>>, vector<1x16xf32>,
      %swap3A_179 = vector.shape_cast %swap3A_178 : vector<1x16xf32> to vector<16xf32>
      %swap3A_180 = vector.shape_cast %broadcast_in_dim3A_175 : vector<16xf32> to vector<1x16xf32>
      tpu.vector_store %arg11[%swap3A_176, %swap3A_177], %swap3A_180 {strides = array<i32>} : memref<128x512xf32, #tpu.memory_space<vmem>>, vector<1x16xf32>,
      %broadcast_in_dim3A_181 = arith.constant 0.000000e+00 : f32
      %broadcast_in_dim3A_182 = vector.broadcast %broadcast_in_dim3A_181 : f32 to vector<16xf32>
      %swap3A_183 = arith.index_cast %scan3A_35 : i32 to index
      %swap3A_184 = arith.constant 336 : index
      %swap3A_185 = tpu.vector_load %arg11[%swap3A_183, %swap3A_184] {strides = array<i32>} : memref<128x512xf32, #tpu.memory_space<vmem>>, vector<1x16xf32>,
      %swap3A_186 = vector.shape_cast %swap3A_185 : vector<1x16xf32> to vector<16xf32>
      %swap3A_187 = vector.shape_cast %broadcast_in_dim3A_182 : vector<16xf32> to vector<1x16xf32>
      tpu.vector_store %arg11[%swap3A_183, %swap3A_184], %swap3A_187 {strides = array<i32>} : memref<128x512xf32, #tpu.memory_space<vmem>>, vector<1x16xf32>,
      %broadcast_in_dim3A_188 = arith.constant 0.000000e+00 : f32
      %broadcast_in_dim3A_189 = vector.broadcast %broadcast_in_dim3A_188 : f32 to vector<16xf32>
      %swap3A_190 = arith.index_cast %scan3A_35 : i32 to index
      %swap3A_191 = arith.constant 352 : index
      %swap3A_192 = tpu.vector_load %arg11[%swap3A_190, %swap3A_191] {strides = array<i32>} : memref<128x512xf32, #tpu.memory_space<vmem>>, vector<1x16xf32>,
      %swap3A_193 = vector.shape_cast %swap3A_192 : vector<1x16xf32> to vector<16xf32>
      %swap3A_194 = vector.shape_cast %broadcast_in_dim3A_189 : vector<16xf32> to vector<1x16xf32>
      tpu.vector_store %arg11[%swap3A_190, %swap3A_191], %swap3A_194 {strides = array<i32>} : memref<128x512xf32, #tpu.memory_space<vmem>>, vector<1x16xf32>,
      %broadcast_in_dim3A_195 = arith.constant 0.000000e+00 : f32
      %broadcast_in_dim3A_196 = vector.broadcast %broadcast_in_dim3A_195 : f32 to vector<16xf32>
      %swap3A_197 = arith.index_cast %scan3A_35 : i32 to index
      %swap3A_198 = arith.constant 368 : index
      %swap3A_199 = tpu.vector_load %arg11[%swap3A_197, %swap3A_198] {strides = array<i32>} : memref<128x512xf32, #tpu.memory_space<vmem>>, vector<1x16xf32>,
      %swap3A_200 = vector.shape_cast %swap3A_199 : vector<1x16xf32> to vector<16xf32>
      %swap3A_201 = vector.shape_cast %broadcast_in_dim3A_196 : vector<16xf32> to vector<1x16xf32>
      tpu.vector_store %arg11[%swap3A_197, %swap3A_198], %swap3A_201 {strides = array<i32>} : memref<128x512xf32, #tpu.memory_space<vmem>>, vector<1x16xf32>,
      %broadcast_in_dim3A_202 = arith.constant 0.000000e+00 : f32
      %broadcast_in_dim3A_203 = vector.broadcast %broadcast_in_dim3A_202 : f32 to vector<16xf32>
      %swap3A_204 = arith.index_cast %scan3A_35 : i32 to index
      %swap3A_205 = arith.constant 384 : index
      %swap3A_206 = tpu.vector_load %arg11[%swap3A_204, %swap3A_205] {strides = array<i32>} : memref<128x512xf32, #tpu.memory_space<vmem>>, vector<1x16xf32>,
      %swap3A_207 = vector.shape_cast %swap3A_206 : vector<1x16xf32> to vector<16xf32>
      %swap3A_208 = vector.shape_cast %broadcast_in_dim3A_203 : vector<16xf32> to vector<1x16xf32>
      tpu.vector_store %arg11[%swap3A_204, %swap3A_205], %swap3A_208 {strides = array<i32>} : memref<128x512xf32, #tpu.memory_space<vmem>>, vector<1x16xf32>,
      %broadcast_in_dim3A_209 = arith.constant 0.000000e+00 : f32
      %broadcast_in_dim3A_210 = vector.broadcast %broadcast_in_dim3A_209 : f32 to vector<16xf32>
      %swap3A_211 = arith.index_cast %scan3A_35 : i32 to index
      %swap3A_212 = arith.constant 400 : index
      %swap3A_213 = tpu.vector_load %arg11[%swap3A_211, %swap3A_212] {strides = array<i32>} : memref<128x512xf32, #tpu.memory_space<vmem>>, vector<1x16xf32>,
      %swap3A_214 = vector.shape_cast %swap3A_213 : vector<1x16xf32> to vector<16xf32>
      %swap3A_215 = vector.shape_cast %broadcast_in_dim3A_210 : vector<16xf32> to vector<1x16xf32>
      tpu.vector_store %arg11[%swap3A_211, %swap3A_212], %swap3A_215 {strides = array<i32>} : memref<128x512xf32, #tpu.memory_space<vmem>>, vector<1x16xf32>,
      %broadcast_in_dim3A_216 = arith.constant 0.000000e+00 : f32
      %broadcast_in_dim3A_217 = vector.broadcast %broadcast_in_dim3A_216 : f32 to vector<16xf32>
      %swap3A_218 = arith.index_cast %scan3A_35 : i32 to index
      %swap3A_219 = arith.constant 416 : index
      %swap3A_220 = tpu.vector_load %arg11[%swap3A_218, %swap3A_219] {strides = array<i32>} : memref<128x512xf32, #tpu.memory_space<vmem>>, vector<1x16xf32>,
      %swap3A_221 = vector.shape_cast %swap3A_220 : vector<1x16xf32> to vector<16xf32>
      %swap3A_222 = vector.shape_cast %broadcast_in_dim3A_217 : vector<16xf32> to vector<1x16xf32>
      tpu.vector_store %arg11[%swap3A_218, %swap3A_219], %swap3A_222 {strides = array<i32>} : memref<128x512xf32, #tpu.memory_space<vmem>>, vector<1x16xf32>,
      %broadcast_in_dim3A_223 = arith.constant 0.000000e+00 : f32
      %broadcast_in_dim3A_224 = vector.broadcast %broadcast_in_dim3A_223 : f32 to vector<16xf32>
      %swap3A_225 = arith.index_cast %scan3A_35 : i32 to index
      %swap3A_226 = arith.constant 432 : index
      %swap3A_227 = tpu.vector_load %arg11[%swap3A_225, %swap3A_226] {strides = array<i32>} : memref<128x512xf32, #tpu.memory_space<vmem>>, vector<1x16xf32>,
      %swap3A_228 = vector.shape_cast %swap3A_227 : vector<1x16xf32> to vector<16xf32>
      %swap3A_229 = vector.shape_cast %broadcast_in_dim3A_224 : vector<16xf32> to vector<1x16xf32>
      tpu.vector_store %arg11[%swap3A_225, %swap3A_226], %swap3A_229 {strides = array<i32>} : memref<128x512xf32, #tpu.memory_space<vmem>>, vector<1x16xf32>,
      %broadcast_in_dim3A_230 = arith.constant 0.000000e+00 : f32
      %broadcast_in_dim3A_231 = vector.broadcast %broadcast_in_dim3A_230 : f32 to vector<16xf32>
      %swap3A_232 = arith.index_cast %scan3A_35 : i32 to index
      %swap3A_233 = arith.constant 448 : index
      %swap3A_234 = tpu.vector_load %arg11[%swap3A_232, %swap3A_233] {strides = array<i32>} : memref<128x512xf32, #tpu.memory_space<vmem>>, vector<1x16xf32>,
      %swap3A_235 = vector.shape_cast %swap3A_234 : vector<1x16xf32> to vector<16xf32>
      %swap3A_236 = vector.shape_cast %broadcast_in_dim3A_231 : vector<16xf32> to vector<1x16xf32>
      tpu.vector_store %arg11[%swap3A_232, %swap3A_233], %swap3A_236 {strides = array<i32>} : memref<128x512xf32, #tpu.memory_space<vmem>>, vector<1x16xf32>,
      %broadcast_in_dim3A_237 = arith.constant 0.000000e+00 : f32
      %broadcast_in_dim3A_238 = vector.broadcast %broadcast_in_dim3A_237 : f32 to vector<16xf32>
      %swap3A_239 = arith.index_cast %scan3A_35 : i32 to index
      %swap3A_240 = arith.constant 464 : index
      %swap3A_241 = tpu.vector_load %arg11[%swap3A_239, %swap3A_240] {strides = array<i32>} : memref<128x512xf32, #tpu.memory_space<vmem>>, vector<1x16xf32>,
      %swap3A_242 = vector.shape_cast %swap3A_241 : vector<1x16xf32> to vector<16xf32>
      %swap3A_243 = vector.shape_cast %broadcast_in_dim3A_238 : vector<16xf32> to vector<1x16xf32>
      tpu.vector_store %arg11[%swap3A_239, %swap3A_240], %swap3A_243 {strides = array<i32>} : memref<128x512xf32, #tpu.memory_space<vmem>>, vector<1x16xf32>,
      %broadcast_in_dim3A_244 = arith.constant 0.000000e+00 : f32
      %broadcast_in_dim3A_245 = vector.broadcast %broadcast_in_dim3A_244 : f32 to vector<16xf32>
      %swap3A_246 = arith.index_cast %scan3A_35 : i32 to index
      %swap3A_247 = arith.constant 480 : index
      %swap3A_248 = tpu.vector_load %arg11[%swap3A_246, %swap3A_247] {strides = array<i32>} : memref<128x512xf32, #tpu.memory_space<vmem>>, vector<1x16xf32>,
      %swap3A_249 = vector.shape_cast %swap3A_248 : vector<1x16xf32> to vector<16xf32>
      %swap3A_250 = vector.shape_cast %broadcast_in_dim3A_245 : vector<16xf32> to vector<1x16xf32>
      tpu.vector_store %arg11[%swap3A_246, %swap3A_247], %swap3A_250 {strides = array<i32>} : memref<128x512xf32, #tpu.memory_space<vmem>>, vector<1x16xf32>,
      %broadcast_in_dim3A_251 = arith.constant 0.000000e+00 : f32
      %broadcast_in_dim3A_252 = vector.broadcast %broadcast_in_dim3A_251 : f32 to vector<16xf32>
      %swap3A_253 = arith.index_cast %scan3A_35 : i32 to index
      %swap3A_254 = arith.constant 496 : index
      %swap3A_255 = tpu.vector_load %arg11[%swap3A_253, %swap3A_254] {strides = array<i32>} : memref<128x512xf32, #tpu.memory_space<vmem>>, vector<1x16xf32>,
      %swap3A_256 = vector.shape_cast %swap3A_255 : vector<1x16xf32> to vector<16xf32>
      %swap3A_257 = vector.shape_cast %broadcast_in_dim3A_252 : vector<16xf32> to vector<1x16xf32>
      tpu.vector_store %arg11[%swap3A_253, %swap3A_254], %swap3A_257 {strides = array<i32>} : memref<128x512xf32, #tpu.memory_space<vmem>>, vector<1x16xf32>,
    }
    %scan3A_4 = arith.constant 128 : i32
    %scan3A_5 = arith.constant 0 : i32
    %scan3A_6 = arith.constant 0 : i32
    %scan3A_7 = arith.constant 64 : i32
    %scan3A_8 = arith.addi %scan3A_6, %scan3A_7 : i32
    %scan3A_9 = arith.constant 1 : i32
    scf.for %scan3A_35 = %scan3A_6 to %scan3A_8 step %scan3A_9  : i32 {
      %broadcast_in_dim3A = arith.constant 0.000000e+00 : f32
      %broadcast_in_dim3A_36 = vector.broadcast %broadcast_in_dim3A : f32 to vector<16xf32>
      %swap3A = arith.index_cast %scan3A_35 : i32 to index
      %swap3A_37 = arith.constant 0 : index
      %swap3A_38 = tpu.vector_load %arg13[%swap3A, %swap3A_37] {strides = array<i32>} : memref<64x16xf32, #tpu.memory_space<vmem>>, vector<1x16xf32>,
      %swap3A_39 = vector.shape_cast %swap3A_38 : vector<1x16xf32> to vector<16xf32>
      %swap3A_40 = vector.shape_cast %broadcast_in_dim3A_36 : vector<16xf32> to vector<1x16xf32>
      tpu.vector_store %arg13[%swap3A, %swap3A_37], %swap3A_40 {strides = array<i32>} : memref<64x16xf32, #tpu.memory_space<vmem>>, vector<1x16xf32>,
    }
    %scan3A_10 = arith.constant 64 : i32
    %scan3A_11 = arith.constant 0 : i32
    %scan3A_12 = arith.constant 0 : i32
    %scan3A_13 = arith.constant 128 : i32
    %scan3A_14 = arith.addi %scan3A_12, %scan3A_13 : i32
    %scan3A_15 = arith.constant 1 : i32
    scf.for %scan3A_35 = %scan3A_12 to %scan3A_14 step %scan3A_15  : i32 {
      %broadcast_in_dim3A = arith.constant 1.000000e+00 : f32
      %broadcast_in_dim3A_36 = vector.broadcast %broadcast_in_dim3A : f32 to vector<16xf32>
      %swap3A = arith.index_cast %scan3A_35 : i32 to index
      %swap3A_37 = arith.constant 0 : index
      %swap3A_38 = tpu.vector_load %arg12[%swap3A, %swap3A_37] {strides = array<i32>} : memref<128x16xf32, #tpu.memory_space<vmem>>, vector<1x16xf32>,
      %swap3A_39 = vector.shape_cast %swap3A_38 : vector<1x16xf32> to vector<16xf32>
      %swap3A_40 = vector.shape_cast %broadcast_in_dim3A_36 : vector<16xf32> to vector<1x16xf32>
      tpu.vector_store %arg12[%swap3A, %swap3A_37], %swap3A_40 {strides = array<i32>} : memref<128x16xf32, #tpu.memory_space<vmem>>, vector<1x16xf32>,
    }
    %scan3A_16 = arith.constant 128 : i32
    %mul3A = arith.constant 64 : i32
    %mul3A_17 = arith.muli %arg1, %mul3A : i32
    %min3A = arith.constant 936 : i32
    %min3A_18 = arith.minsi %mul3A_17, %min3A : i32
    %multiple_of3A = tpu.assume_multiple %min3A_18, 8 : i32
    %add3A = arith.constant 0 : i32
    %add3A_19 = arith.addi %multiple_of3A, %add3A : i32
    %min3A_20 = arith.constant 936 : i32
    %min3A_21 = arith.minsi %add3A_19, %min3A_20 : i32
    %multiple_of3A_22 = tpu.assume_multiple %min3A_21, 8 : i32
    "tpu.region"() ({
      %run_scoped3A = tpu.sem_alloc : memref<!tpu.dma_semaphore, #tpu.memory_space<semaphore_mem>>
      %dma_start3A = arith.constant 0 : i32
      %dma_start3A_35 = arith.constant 0 : i32
      %dma_start3A_36 = tpu.memref_slice %arg11[%dma_start3A, %dma_start3A_35] : memref<128x512xf32, #tpu.memory_space<vmem>> -> memref<64x512xf32, #tpu.memory_space<vmem>>
      %dma_start3A_37 = arith.constant 0 : i32
      %dma_start3A_38 = tpu.memref_slice %arg7[%multiple_of3A_22, %dma_start3A_37] : memref<1008x512xf32, #tpu.memory_space<vmem_shared>> -> memref<64x512xf32, #tpu.memory_space<vmem_shared>>
      %dma_start3A_39 = arith.constant 0 : i32
      %dma_start3A_40 = tpu.memref_slice %arg7[%multiple_of3A_22, %dma_start3A_39] : memref<1008x512xf32, #tpu.memory_space<vmem_shared>> -> memref<64x512xf32, #tpu.memory_space<vmem_shared>>
      %dma_start3A_41 = arith.constant 0 : i32
      %dma_start3A_42 = arith.constant 0 : i32
      %dma_start3A_43 = tpu.memref_slice %arg11[%dma_start3A_41, %dma_start3A_42] : memref<128x512xf32, #tpu.memory_space<vmem>> -> memref<64x512xf32, #tpu.memory_space<vmem>>
      tpu.enqueue_dma source(%dma_start3A_43 : memref<64x512xf32, #tpu.memory_space<vmem>>) target(%dma_start3A_40 : memref<64x512xf32, #tpu.memory_space<vmem_shared>>) target_semaphore(%run_scoped3A : memref<!tpu.dma_semaphore, #tpu.memory_space<semaphore_mem>>)
      %dma_wait3A = arith.constant 0 : i32
      %dma_wait3A_44 = arith.constant 0 : i32
      %dma_wait3A_45 = tpu.memref_slice %arg11[%dma_wait3A, %dma_wait3A_44] : memref<128x512xf32, #tpu.memory_space<vmem>> -> memref<64x512xf32, #tpu.memory_space<vmem>>
      %dma_wait3A_46 = arith.constant 0 : i32
      %dma_wait3A_47 = tpu.memref_slice %arg7[%multiple_of3A_22, %dma_wait3A_46] : memref<1008x512xf32, #tpu.memory_space<vmem_shared>> -> memref<64x512xf32, #tpu.memory_space<vmem_shared>>
      %dma_wait3A_48 = arith.constant 0 : i32
      %dma_wait3A_49 = tpu.memref_slice %arg7[%multiple_of3A_22, %dma_wait3A_48] : memref<1008x512xf32, #tpu.memory_space<vmem_shared>> -> memref<64x512xf32, #tpu.memory_space<vmem_shared>>
      %dma_wait3A_50 = arith.constant 0 : i32
      %dma_wait3A_51 = arith.constant 0 : i32
      %dma_wait3A_52 = tpu.memref_slice %arg11[%dma_wait3A_50, %dma_wait3A_51] : memref<128x512xf32, #tpu.memory_space<vmem>> -> memref<64x512xf32, #tpu.memory_space<vmem>>
      tpu.wait_dma2 semaphore(%run_scoped3A : memref<!tpu.dma_semaphore, #tpu.memory_space<semaphore_mem>>) src(%dma_wait3A_52 : memref<64x512xf32, #tpu.memory_space<vmem>>) dst(%dma_wait3A_49 : memref<64x512xf32, #tpu.memory_space<vmem_shared>>)
      tpu.yield
    }) : () -> ()
    "tpu.region"() ({
      %run_scoped3A = tpu.sem_alloc : memref<!tpu.dma_semaphore, #tpu.memory_space<semaphore_mem>>
      %dma_start3A = arith.constant 0 : i32
      %dma_start3A_35 = tpu.memref_slice %arg8[%multiple_of3A, %dma_start3A] : memref<1008x16xf32, #tpu.memory_space<vmem_shared>> -> memref<64x16xf32, #tpu.memory_space<vmem_shared>>
      %dma_start3A_36 = arith.constant 0 : i32
      %dma_start3A_37 = tpu.memref_slice %arg8[%multiple_of3A, %dma_start3A_36] : memref<1008x16xf32, #tpu.memory_space<vmem_shared>> -> memref<64x16xf32, #tpu.memory_space<vmem_shared>>
      tpu.enqueue_dma source(%arg13 : memref<64x16xf32, #tpu.memory_space<vmem>>) target(%dma_start3A_37 : memref<64x16xf32, #tpu.memory_space<vmem_shared>>) target_semaphore(%run_scoped3A : memref<!tpu.dma_semaphore, #tpu.memory_space<semaphore_mem>>)
      %dma_wait3A = arith.constant 0 : i32
      %dma_wait3A_38 = tpu.memref_slice %arg8[%multiple_of3A, %dma_wait3A] : memref<1008x16xf32, #tpu.memory_space<vmem_shared>> -> memref<64x16xf32, #tpu.memory_space<vmem_shared>>
      %dma_wait3A_39 = arith.constant 0 : i32
      %dma_wait3A_40 = tpu.memref_slice %arg8[%multiple_of3A, %dma_wait3A_39] : memref<1008x16xf32, #tpu.memory_space<vmem_shared>> -> memref<64x16xf32, #tpu.memory_space<vmem_shared>>
      tpu.wait_dma2 semaphore(%run_scoped3A : memref<!tpu.dma_semaphore, #tpu.memory_space<semaphore_mem>>) src(%arg13 : memref<64x16xf32, #tpu.memory_space<vmem>>) dst(%dma_wait3A_40 : memref<64x16xf32, #tpu.memory_space<vmem_shared>>)
      tpu.yield
    }) : () -> ()
    "tpu.region"() ({
      %run_scoped3A = tpu.sem_alloc : memref<!tpu.dma_semaphore, #tpu.memory_space<semaphore_mem>>
      %dma_start3A = arith.constant 0 : i32
      %dma_start3A_35 = arith.constant 0 : i32
      %dma_start3A_36 = tpu.memref_slice %arg3[%arg0, %arg1, %dma_start3A, %dma_start3A_35] : memref<2x16x4x128xi32, #tpu.memory_space<hbm>> -> memref<1x1x4x128xi32, #tpu.memory_space<hbm>>
      %dma_start3A_37 = tpu.memref_squeeze %dma_start3A_36 : memref<1x1x4x128xi32, #tpu.memory_space<hbm>> -> memref<4x128xi32, #tpu.memory_space<hbm>>
      %dma_start3A_38 = arith.constant 0 : i32
      %dma_start3A_39 = arith.constant 0 : i32
      %dma_start3A_40 = tpu.memref_slice %arg3[%arg0, %arg1, %dma_start3A_38, %dma_start3A_39] : memref<2x16x4x128xi32, #tpu.memory_space<hbm>> -> memref<1x1x4x128xi32, #tpu.memory_space<hbm>>
      %dma_start3A_41 = tpu.memref_squeeze %dma_start3A_40 : memref<1x1x4x128xi32, #tpu.memory_space<hbm>> -> memref<4x128xi32, #tpu.memory_space<hbm>>
      tpu.enqueue_dma source(%dma_start3A_41 : memref<4x128xi32, #tpu.memory_space<hbm>>) target(%arg9 : memref<4x128xi32, #tpu.memory_space<vmem>>) target_semaphore(%run_scoped3A : memref<!tpu.dma_semaphore, #tpu.memory_space<semaphore_mem>>)
      %dma_wait3A = arith.constant 0 : i32
      %dma_wait3A_42 = arith.constant 0 : i32
      %dma_wait3A_43 = tpu.memref_slice %arg3[%arg0, %arg1, %dma_wait3A, %dma_wait3A_42] : memref<2x16x4x128xi32, #tpu.memory_space<hbm>> -> memref<1x1x4x128xi32, #tpu.memory_space<hbm>>
      %dma_wait3A_44 = tpu.memref_squeeze %dma_wait3A_43 : memref<1x1x4x128xi32, #tpu.memory_space<hbm>> -> memref<4x128xi32, #tpu.memory_space<hbm>>
      %dma_wait3A_45 = arith.constant 0 : i32
      %dma_wait3A_46 = arith.constant 0 : i32
      %dma_wait3A_47 = tpu.memref_slice %arg3[%arg0, %arg1, %dma_wait3A_45, %dma_wait3A_46] : memref<2x16x4x128xi32, #tpu.memory_space<hbm>> -> memref<1x1x4x128xi32, #tpu.memory_space<hbm>>
      %dma_wait3A_48 = tpu.memref_squeeze %dma_wait3A_47 : memref<1x1x4x128xi32, #tpu.memory_space<hbm>> -> memref<4x128xi32, #tpu.memory_space<hbm>>
      tpu.wait_dma2 semaphore(%run_scoped3A : memref<!tpu.dma_semaphore, #tpu.memory_space<semaphore_mem>>) src(%dma_wait3A_48 : memref<4x128xi32, #tpu.memory_space<hbm>>) dst(%arg9 : memref<4x128xi32, #tpu.memory_space<vmem>>)
      tpu.yield
    }) : () -> ()
    "tpu.region"() ({
      %run_scoped3A = tpu.sem_alloc : memref<!tpu.dma_semaphore, #tpu.memory_space<semaphore_mem>>
      %dma_start3A = arith.constant 0 : i32
      %dma_start3A_35 = arith.constant 0 : i32
      %dma_start3A_36 = tpu.memref_slice %arg4[%arg0, %arg1, %dma_start3A, %dma_start3A_35] : memref<2x16x4x128xi32, #tpu.memory_space<hbm>> -> memref<1x1x4x128xi32, #tpu.memory_space<hbm>>
      %dma_start3A_37 = tpu.memref_squeeze %dma_start3A_36 : memref<1x1x4x128xi32, #tpu.memory_space<hbm>> -> memref<4x128xi32, #tpu.memory_space<hbm>>
      %dma_start3A_38 = arith.constant 0 : i32
      %dma_start3A_39 = arith.constant 0 : i32
      %dma_start3A_40 = tpu.memref_slice %arg4[%arg0, %arg1, %dma_start3A_38, %dma_start3A_39] : memref<2x16x4x128xi32, #tpu.memory_space<hbm>> -> memref<1x1x4x128xi32, #tpu.memory_space<hbm>>
      %dma_start3A_41 = tpu.memref_squeeze %dma_start3A_40 : memref<1x1x4x128xi32, #tpu.memory_space<hbm>> -> memref<4x128xi32, #tpu.memory_space<hbm>>
      tpu.enqueue_dma source(%dma_start3A_41 : memref<4x128xi32, #tpu.memory_space<hbm>>) target(%arg10 : memref<4x128xi32, #tpu.memory_space<vmem>>) target_semaphore(%run_scoped3A : memref<!tpu.dma_semaphore, #tpu.memory_space<semaphore_mem>>)
      %dma_wait3A = arith.constant 0 : i32
      %dma_wait3A_42 = arith.constant 0 : i32
      %dma_wait3A_43 = tpu.memref_slice %arg4[%arg0, %arg1, %dma_wait3A, %dma_wait3A_42] : memref<2x16x4x128xi32, #tpu.memory_space<hbm>> -> memref<1x1x4x128xi32, #tpu.memory_space<hbm>>
      %dma_wait3A_44 = tpu.memref_squeeze %dma_wait3A_43 : memref<1x1x4x128xi32, #tpu.memory_space<hbm>> -> memref<4x128xi32, #tpu.memory_space<hbm>>
      %dma_wait3A_45 = arith.constant 0 : i32
      %dma_wait3A_46 = arith.constant 0 : i32
      %dma_wait3A_47 = tpu.memref_slice %arg4[%arg0, %arg1, %dma_wait3A_45, %dma_wait3A_46] : memref<2x16x4x128xi32, #tpu.memory_space<hbm>> -> memref<1x1x4x128xi32, #tpu.memory_space<hbm>>
      %dma_wait3A_48 = tpu.memref_squeeze %dma_wait3A_47 : memref<1x1x4x128xi32, #tpu.memory_space<hbm>> -> memref<4x128xi32, #tpu.memory_space<hbm>>
      tpu.wait_dma2 semaphore(%run_scoped3A : memref<!tpu.dma_semaphore, #tpu.memory_space<semaphore_mem>>) src(%dma_wait3A_48 : memref<4x128xi32, #tpu.memory_space<hbm>>) dst(%arg10 : memref<4x128xi32, #tpu.memory_space<vmem>>)
      tpu.yield
    }) : () -> ()
    %barrier3A = arith.constant 0 : index
    tpu.barrier barrier_id(%barrier3A)
    %scan3A_23 = arith.constant 0 : i32
    %scan3A_24 = arith.constant 0 : i32
    %scan3A_25 = arith.constant 4 : i32
    %scan3A_26 = arith.addi %scan3A_24, %scan3A_25 : i32
    %scan3A_27 = arith.constant 1 : i32
    scf.for %scan3A_35 = %scan3A_24 to %scan3A_26 step %scan3A_27  : i32 {
      %dma_start3A = arith.constant 0 : i32
      %dma_start3A_36 = tpu.memref_slice %arg9[%scan3A_35, %dma_start3A] : memref<4x128xi32, #tpu.memory_space<vmem>> -> memref<1x128xi32, #tpu.memory_space<vmem>>
      %dma_start3A_37 = tpu.memref_squeeze %dma_start3A_36 : memref<1x128xi32, #tpu.memory_space<vmem>> -> memref<128xi32, #tpu.memory_space<vmem>>
      %dma_start3A_38 = arith.constant 0 : i32
      %dma_start3A_39 = arith.constant 0 : i32
      %dma_start3A_40 = tpu.memref_slice %arg2[%dma_start3A_38, %dma_start3A_39] : memref<4000x512xf32, #tpu.memory_space<hbm>> -> memref<4000x512xf32, #tpu.memory_space<hbm>>
      tpu.enqueue_indirect_dma source(%dma_start3A_40 : memref<4000x512xf32, #tpu.memory_space<hbm>>) target(%arg11 : memref<128x512xf32, #tpu.memory_space<vmem>>) offsets(%dma_start3A_37 : memref<128xi32, #tpu.memory_space<vmem>>) semaphore(%arg14 : memref<!tpu.dma_semaphore, #tpu.memory_space<semaphore_mem>>)
      %dma_wait3A = arith.constant 0 : i32
      %dma_wait3A_41 = tpu.memref_slice %arg9[%scan3A_35, %dma_wait3A] : memref<4x128xi32, #tpu.memory_space<vmem>> -> memref<1x128xi32, #tpu.memory_space<vmem>>
      %dma_wait3A_42 = tpu.memref_squeeze %dma_wait3A_41 : memref<1x128xi32, #tpu.memory_space<vmem>> -> memref<128xi32, #tpu.memory_space<vmem>>
      %dma_wait3A_43 = arith.constant 0 : i32
      %dma_wait3A_44 = arith.constant 0 : i32
      %dma_wait3A_45 = tpu.memref_slice %arg2[%dma_wait3A_43, %dma_wait3A_44] : memref<4000x512xf32, #tpu.memory_space<hbm>> -> memref<4000x512xf32, #tpu.memory_space<hbm>>
      tpu.wait_indirect_dma semaphore(%arg14 : memref<!tpu.dma_semaphore, #tpu.memory_space<semaphore_mem>>) src(%dma_wait3A_45 : memref<4000x512xf32, #tpu.memory_space<hbm>>) dst(%arg11 : memref<128x512xf32, #tpu.memory_space<vmem>>)
      "tpu.region"() ({
        %run_scoped3A = tpu.sem_alloc : memref<!tpu.dma_semaphore, #tpu.memory_space<semaphore_mem>>
        %dma_start3A_46 = arith.constant 0 : i32
        %dma_start3A_47 = tpu.memref_slice %arg10[%scan3A_35, %dma_start3A_46] : memref<4x128xi32, #tpu.memory_space<vmem>> -> memref<1x128xi32, #tpu.memory_space<vmem>>
        %dma_start3A_48 = tpu.memref_squeeze %dma_start3A_47 : memref<1x128xi32, #tpu.memory_space<vmem>> -> memref<128xi32, #tpu.memory_space<vmem>>
        %dma_start3A_49 = arith.constant 0 : i32
        %dma_start3A_50 = arith.constant 0 : i32
        %dma_start3A_51 = tpu.memref_slice %arg7[%dma_start3A_49, %dma_start3A_50] : memref<1008x512xf32, #tpu.memory_space<vmem_shared>> -> memref<1008x512xf32, #tpu.memory_space<vmem_shared>>
        tpu.enqueue_indirect_dma source(%arg11 : memref<128x512xf32, #tpu.memory_space<vmem>>) target(%dma_start3A_51 : memref<1008x512xf32, #tpu.memory_space<vmem_shared>>) offsets(%dma_start3A_48 : memref<128xi32, #tpu.memory_space<vmem>>) semaphore(%run_scoped3A : memref<!tpu.dma_semaphore, #tpu.memory_space<semaphore_mem>>) {add = true}
        %dma_wait3A_52 = arith.constant 0 : i32
        %dma_wait3A_53 = tpu.memref_slice %arg10[%scan3A_35, %dma_wait3A_52] : memref<4x128xi32, #tpu.memory_space<vmem>> -> memref<1x128xi32, #tpu.memory_space<vmem>>
        %dma_wait3A_54 = tpu.memref_squeeze %dma_wait3A_53 : memref<1x128xi32, #tpu.memory_space<vmem>> -> memref<128xi32, #tpu.memory_space<vmem>>
        %dma_wait3A_55 = arith.constant 0 : i32
        %dma_wait3A_56 = arith.constant 0 : i32
        %dma_wait3A_57 = tpu.memref_slice %arg7[%dma_wait3A_55, %dma_wait3A_56] : memref<1008x512xf32, #tpu.memory_space<vmem_shared>> -> memref<1008x512xf32, #tpu.memory_space<vmem_shared>>
        tpu.wait_indirect_dma semaphore(%run_scoped3A : memref<!tpu.dma_semaphore, #tpu.memory_space<semaphore_mem>>) src(%arg11 : memref<128x512xf32, #tpu.memory_space<vmem>>) dst(%dma_wait3A_57 : memref<1008x512xf32, #tpu.memory_space<vmem_shared>>)
        tpu.yield
      }) : () -> ()
      "tpu.region"() ({
        %run_scoped3A = tpu.sem_alloc : memref<!tpu.dma_semaphore, #tpu.memory_space<semaphore_mem>>
        %dma_start3A_46 = arith.constant 0 : i32
        %dma_start3A_47 = tpu.memref_slice %arg10[%scan3A_35, %dma_start3A_46] : memref<4x128xi32, #tpu.memory_space<vmem>> -> memref<1x128xi32, #tpu.memory_space<vmem>>
        %dma_start3A_48 = tpu.memref_squeeze %dma_start3A_47 : memref<1x128xi32, #tpu.memory_space<vmem>> -> memref<128xi32, #tpu.memory_space<vmem>>
        %dma_start3A_49 = arith.constant 0 : i32
        %dma_start3A_50 = arith.constant 0 : i32
        %dma_start3A_51 = tpu.memref_slice %arg8[%dma_start3A_49, %dma_start3A_50] : memref<1008x16xf32, #tpu.memory_space<vmem_shared>> -> memref<1008x16xf32, #tpu.memory_space<vmem_shared>>
        tpu.enqueue_indirect_dma source(%arg12 : memref<128x16xf32, #tpu.memory_space<vmem>>) target(%dma_start3A_51 : memref<1008x16xf32, #tpu.memory_space<vmem_shared>>) offsets(%dma_start3A_48 : memref<128xi32, #tpu.memory_space<vmem>>) semaphore(%run_scoped3A : memref<!tpu.dma_semaphore, #tpu.memory_space<semaphore_mem>>) {add = true}
        %dma_wait3A_52 = arith.constant 0 : i32
        %dma_wait3A_53 = tpu.memref_slice %arg10[%scan3A_35, %dma_wait3A_52] : memref<4x128xi32, #tpu.memory_space<vmem>> -> memref<1x128xi32, #tpu.memory_space<vmem>>
        %dma_wait3A_54 = tpu.memref_squeeze %dma_wait3A_53 : memref<1x128xi32, #tpu.memory_space<vmem>> -> memref<128xi32, #tpu.memory_space<vmem>>
        %dma_wait3A_55 = arith.constant 0 : i32
        %dma_wait3A_56 = arith.constant 0 : i32
        %dma_wait3A_57 = tpu.memref_slice %arg8[%dma_wait3A_55, %dma_wait3A_56] : memref<1008x16xf32, #tpu.memory_space<vmem_shared>> -> memref<1008x16xf32, #tpu.memory_space<vmem_shared>>
        tpu.wait_indirect_dma semaphore(%run_scoped3A : memref<!tpu.dma_semaphore, #tpu.memory_space<semaphore_mem>>) src(%arg12 : memref<128x16xf32, #tpu.memory_space<vmem>>) dst(%dma_wait3A_57 : memref<1008x16xf32, #tpu.memory_space<vmem_shared>>)
        tpu.yield
      }) : () -> ()
    }
    %scan3A_28 = arith.constant 4 : i32
    %barrier3A_29 = arith.constant 0 : index
    tpu.barrier barrier_id(%barrier3A_29)
    %add3A_30 = arith.constant 0 : i32
    %add3A_31 = arith.addi %multiple_of3A, %add3A_30 : i32
    %min3A_32 = arith.constant 936 : i32
    %min3A_33 = arith.minsi %add3A_31, %min3A_32 : i32
    %multiple_of3A_34 = tpu.assume_multiple %min3A_33, 8 : i32
    "tpu.region"() ({
      %run_scoped3A = tpu.sem_alloc : memref<!tpu.dma_semaphore, #tpu.memory_space<semaphore_mem>>
      %dma_start3A = arith.constant 0 : i32
      %dma_start3A_35 = tpu.memref_slice %arg5[%arg0, %multiple_of3A_34, %dma_start3A] : memref<2x1000x512xf32, #tpu.memory_space<hbm>> -> memref<1x64x512xf32, #tpu.memory_space<hbm>>
      %dma_start3A_36 = tpu.memref_squeeze %dma_start3A_35 : memref<1x64x512xf32, #tpu.memory_space<hbm>> -> memref<64x512xf32, #tpu.memory_space<hbm>>
      %dma_start3A_37 = arith.constant 0 : i32
      %dma_start3A_38 = tpu.memref_slice %arg7[%multiple_of3A_34, %dma_start3A_37] : memref<1008x512xf32, #tpu.memory_space<vmem_shared>> -> memref<64x512xf32, #tpu.memory_space<vmem_shared>>
      tpu.enqueue_dma source(%dma_start3A_38 : memref<64x512xf32, #tpu.memory_space<vmem_shared>>) target(%dma_start3A_36 : memref<64x512xf32, #tpu.memory_space<hbm>>) target_semaphore(%run_scoped3A : memref<!tpu.dma_semaphore, #tpu.memory_space<semaphore_mem>>)
      %dma_wait3A = arith.constant 0 : i32
      %dma_wait3A_39 = tpu.memref_slice %arg5[%arg0, %multiple_of3A_34, %dma_wait3A] : memref<2x1000x512xf32, #tpu.memory_space<hbm>> -> memref<1x64x512xf32, #tpu.memory_space<hbm>>
      %dma_wait3A_40 = tpu.memref_squeeze %dma_wait3A_39 : memref<1x64x512xf32, #tpu.memory_space<hbm>> -> memref<64x512xf32, #tpu.memory_space<hbm>>
      %dma_wait3A_41 = arith.constant 0 : i32
      %dma_wait3A_42 = tpu.memref_slice %arg7[%multiple_of3A_34, %dma_wait3A_41] : memref<1008x512xf32, #tpu.memory_space<vmem_shared>> -> memref<64x512xf32, #tpu.memory_space<vmem_shared>>
      tpu.wait_dma2 semaphore(%run_scoped3A : memref<!tpu.dma_semaphore, #tpu.memory_space<semaphore_mem>>) src(%dma_wait3A_42 : memref<64x512xf32, #tpu.memory_space<vmem_shared>>) dst(%dma_wait3A_40 : memref<64x512xf32, #tpu.memory_space<hbm>>)
      tpu.yield
    }) : () -> ()
    "tpu.region"() ({
      %run_scoped3A = tpu.sem_alloc : memref<!tpu.dma_semaphore, #tpu.memory_space<semaphore_mem>>
      %dma_start3A = arith.constant 0 : i32
      %dma_start3A_35 = tpu.memref_slice %arg6[%arg0, %multiple_of3A, %dma_start3A] : memref<2x1000x16xf32, #tpu.memory_space<hbm>> -> memref<1x64x16xf32, #tpu.memory_space<hbm>>
      %dma_start3A_36 = tpu.memref_squeeze %dma_start3A_35 : memref<1x64x16xf32, #tpu.memory_space<hbm>> -> memref<64x16xf32, #tpu.memory_space<hbm>>
      %dma_start3A_37 = arith.constant 0 : i32
      %dma_start3A_38 = tpu.memref_slice %arg8[%multiple_of3A, %dma_start3A_37] : memref<1008x16xf32, #tpu.memory_space<vmem_shared>> -> memref<64x16xf32, #tpu.memory_space<vmem_shared>>
      tpu.enqueue_dma source(%dma_start3A_38 : memref<64x16xf32, #tpu.memory_space<vmem_shared>>) target(%dma_start3A_36 : memref<64x16xf32, #tpu.memory_space<hbm>>) target_semaphore(%run_scoped3A : memref<!tpu.dma_semaphore, #tpu.memory_space<semaphore_mem>>)
      %dma_wait3A = arith.constant 0 : i32
      %dma_wait3A_39 = tpu.memref_slice %arg6[%arg0, %multiple_of3A, %dma_wait3A] : memref<2x1000x16xf32, #tpu.memory_space<hbm>> -> memref<1x64x16xf32, #tpu.memory_space<hbm>>
      %dma_wait3A_40 = tpu.memref_squeeze %dma_wait3A_39 : memref<1x64x16xf32, #tpu.memory_space<hbm>> -> memref<64x16xf32, #tpu.memory_space<hbm>>
      %dma_wait3A_41 = arith.constant 0 : i32
      %dma_wait3A_42 = tpu.memref_slice %arg8[%multiple_of3A, %dma_wait3A_41] : memref<1008x16xf32, #tpu.memory_space<vmem_shared>> -> memref<64x16xf32, #tpu.memory_space<vmem_shared>>
      tpu.wait_dma2 semaphore(%run_scoped3A : memref<!tpu.dma_semaphore, #tpu.memory_space<semaphore_mem>>) src(%dma_wait3A_42 : memref<64x16xf32, #tpu.memory_space<vmem_shared>>) dst(%dma_wait3A_40 : memref<64x16xf32, #tpu.memory_space<hbm>>)
      tpu.yield
    }) : () -> ()
    return
  }
}

module attributes {stable_mosaic.version = 14 : i64} {
  func.func @_dense_body(%arg0: memref<2x4000x256xf32, #tpu.memory_space<vmem>>, %arg1: memref<2x4000x16xf32, #tpu.memory_space<vmem>>, %arg2: memref<256x512xf32, #tpu.memory_space<vmem>>, %arg3: memref<1x512xf32, #tpu.memory_space<vmem>>, %arg4: memref<4000x512xf32, #tpu.memory_space<vmem>>) attributes {dimension_semantics = [], scalar_prefetch = 0 : i64, scratch_operands = 0 : i64, tpu.core_type = #tpu.core_type<tc>} {
    %get3A = arith.constant 0 : index
    %get3A_0 = arith.constant 0 : index
    %get3A_1 = arith.constant 0 : index
    %get3A_2 = vector.load %arg0[%get3A, %get3A_0, %get3A_1] : memref<2x4000x256xf32, #tpu.memory_space<vmem>>, vector<1x4000x256xf32>
    %get3A_3 = vector.shape_cast %get3A_2 : vector<1x4000x256xf32> to vector<4000x256xf32>
    %get3A_4 = arith.constant 1 : index
    %get3A_5 = arith.constant 0 : index
    %get3A_6 = arith.constant 0 : index
    %get3A_7 = vector.load %arg0[%get3A_4, %get3A_5, %get3A_6] : memref<2x4000x256xf32, #tpu.memory_space<vmem>>, vector<1x4000x256xf32>
    %get3A_8 = vector.shape_cast %get3A_7 : vector<1x4000x256xf32> to vector<4000x256xf32>
    %add3A = arith.addf %get3A_3, %get3A_8 : vector<4000x256xf32>
    %get3A_9 = arith.constant 0 : index
    %get3A_10 = arith.constant 0 : index
    %get3A_11 = arith.constant 0 : index
    %get3A_12 = vector.load %arg1[%get3A_9, %get3A_10, %get3A_11] : memref<2x4000x16xf32, #tpu.memory_space<vmem>>, vector<1x4000x1xf32>
    %get3A_13 = vector.shape_cast %get3A_12 : vector<1x4000x1xf32> to vector<4000x1xf32>
    %get3A_14 = arith.constant 1 : index
    %get3A_15 = arith.constant 0 : index
    %get3A_16 = arith.constant 0 : index
    %get3A_17 = vector.load %arg1[%get3A_14, %get3A_15, %get3A_16] : memref<2x4000x16xf32, #tpu.memory_space<vmem>>, vector<1x4000x1xf32>
    %get3A_18 = vector.shape_cast %get3A_17 : vector<1x4000x1xf32> to vector<4000x1xf32>
    %add3A_19 = arith.addf %get3A_13, %get3A_18 : vector<4000x1xf32>
    %max3A = arith.constant 1.000000e+00 : f32
    %max3A_20 = vector.broadcast %max3A : f32 to vector<4000x1xf32>
    %max3A_21 = arith.maximumf %add3A_19, %max3A_20 : vector<4000x1xf32>
    %div3A = vector.broadcast %max3A_21 : vector<4000x1xf32> to vector<4000x256xf32>
    %div3A_22 = arith.divf %add3A, %div3A : vector<4000x256xf32>
    %get3A_23 = arith.constant 0 : index
    %get3A_24 = arith.constant 0 : index
    %get3A_25 = vector.load %arg2[%get3A_23, %get3A_24] : memref<256x512xf32, #tpu.memory_space<vmem>>, vector<256x512xf32>
    %dot_general3A = arith.constant dense<0.000000e+00> : vector<4000x512xf32>
    %dot_general3A_26 = tpu.matmul %div3A_22, %get3A_25, %dot_general3A {dimension_numbers = #tpu.dot_dimension_numbers<[1], [0], [0], [1], [0, 0, 1, 1], [], []>, transpose_lhs_hint = false} : vector<4000x256xf32>, vector<256x512xf32>, vector<4000x512xf32> -> vector<4000x512xf32>
    %get3A_27 = arith.constant 0 : index
    %get3A_28 = arith.constant 0 : index
    %get3A_29 = vector.load %arg3[%get3A_27, %get3A_28] : memref<1x512xf32, #tpu.memory_space<vmem>>, vector<1x512xf32>
    %add3A_30 = vector.broadcast %get3A_29 : vector<1x512xf32> to vector<4000x512xf32>
    %add3A_31 = arith.addf %dot_general3A_26, %add3A_30 : vector<4000x512xf32>
    %max3A_32 = arith.constant 0.000000e+00 : f32
    %max3A_33 = vector.broadcast %max3A_32 : f32 to vector<4000x512xf32>
    %max3A_34 = arith.maximumf %add3A_31, %max3A_33 : vector<4000x512xf32>
    %swap3A = arith.constant 0 : index
    %swap3A_35 = arith.constant 0 : index
    %swap3A_36 = vector.load %arg4[%swap3A, %swap3A_35] : memref<4000x512xf32, #tpu.memory_space<vmem>>, vector<4000x512xf32>
    tpu.vector_store %arg4[%swap3A, %swap3A_35], %max3A_34 {strides = array<i32>} : memref<4000x512xf32, #tpu.memory_space<vmem>>, vector<4000x512xf32>,
    return
  }
}

module attributes {stable_mosaic.version = 14 : i64} {
  func.func @_dense_body(%arg0: memref<2x1000x512xf32, #tpu.memory_space<vmem>>, %arg1: memref<2x1000x16xf32, #tpu.memory_space<vmem>>, %arg2: memref<512x256xf32, #tpu.memory_space<vmem>>, %arg3: memref<1x256xf32, #tpu.memory_space<vmem>>, %arg4: memref<1000x256xf32, #tpu.memory_space<vmem>>) attributes {dimension_semantics = [], scalar_prefetch = 0 : i64, scratch_operands = 0 : i64, tpu.core_type = #tpu.core_type<tc>} {
    %get3A = arith.constant 0 : index
    %get3A_0 = arith.constant 0 : index
    %get3A_1 = arith.constant 0 : index
    %get3A_2 = vector.load %arg0[%get3A, %get3A_0, %get3A_1] : memref<2x1000x512xf32, #tpu.memory_space<vmem>>, vector<1x1000x512xf32>
    %get3A_3 = vector.shape_cast %get3A_2 : vector<1x1000x512xf32> to vector<1000x512xf32>
    %get3A_4 = arith.constant 1 : index
    %get3A_5 = arith.constant 0 : index
    %get3A_6 = arith.constant 0 : index
    %get3A_7 = vector.load %arg0[%get3A_4, %get3A_5, %get3A_6] : memref<2x1000x512xf32, #tpu.memory_space<vmem>>, vector<1x1000x512xf32>
    %get3A_8 = vector.shape_cast %get3A_7 : vector<1x1000x512xf32> to vector<1000x512xf32>
    %add3A = arith.addf %get3A_3, %get3A_8 : vector<1000x512xf32>
    %get3A_9 = arith.constant 0 : index
    %get3A_10 = arith.constant 0 : index
    %get3A_11 = arith.constant 0 : index
    %get3A_12 = vector.load %arg1[%get3A_9, %get3A_10, %get3A_11] : memref<2x1000x16xf32, #tpu.memory_space<vmem>>, vector<1x1000x1xf32>
    %get3A_13 = vector.shape_cast %get3A_12 : vector<1x1000x1xf32> to vector<1000x1xf32>
    %get3A_14 = arith.constant 1 : index
    %get3A_15 = arith.constant 0 : index
    %get3A_16 = arith.constant 0 : index
    %get3A_17 = vector.load %arg1[%get3A_14, %get3A_15, %get3A_16] : memref<2x1000x16xf32, #tpu.memory_space<vmem>>, vector<1x1000x1xf32>
    %get3A_18 = vector.shape_cast %get3A_17 : vector<1x1000x1xf32> to vector<1000x1xf32>
    %add3A_19 = arith.addf %get3A_13, %get3A_18 : vector<1000x1xf32>
    %max3A = arith.constant 1.000000e+00 : f32
    %max3A_20 = vector.broadcast %max3A : f32 to vector<1000x1xf32>
    %max3A_21 = arith.maximumf %add3A_19, %max3A_20 : vector<1000x1xf32>
    %div3A = vector.broadcast %max3A_21 : vector<1000x1xf32> to vector<1000x512xf32>
    %div3A_22 = arith.divf %add3A, %div3A : vector<1000x512xf32>
    %get3A_23 = arith.constant 0 : index
    %get3A_24 = arith.constant 0 : index
    %get3A_25 = vector.load %arg2[%get3A_23, %get3A_24] : memref<512x256xf32, #tpu.memory_space<vmem>>, vector<512x256xf32>
    %dot_general3A = arith.constant dense<0.000000e+00> : vector<1000x256xf32>
    %dot_general3A_26 = tpu.matmul %div3A_22, %get3A_25, %dot_general3A {dimension_numbers = #tpu.dot_dimension_numbers<[1], [0], [0], [1], [0, 0, 1, 1], [], []>, transpose_lhs_hint = false} : vector<1000x512xf32>, vector<512x256xf32>, vector<1000x256xf32> -> vector<1000x256xf32>
    %get3A_27 = arith.constant 0 : index
    %get3A_28 = arith.constant 0 : index
    %get3A_29 = vector.load %arg3[%get3A_27, %get3A_28] : memref<1x256xf32, #tpu.memory_space<vmem>>, vector<1x256xf32>
    %add3A_30 = vector.broadcast %get3A_29 : vector<1x256xf32> to vector<1000x256xf32>
    %add3A_31 = arith.addf %dot_general3A_26, %add3A_30 : vector<1000x256xf32>
    %max3A_32 = arith.constant 0.000000e+00 : f32
    %max3A_33 = vector.broadcast %max3A_32 : f32 to vector<1000x256xf32>
    %max3A_34 = arith.maximumf %add3A_31, %max3A_33 : vector<1000x256xf32>
    %swap3A = arith.constant 0 : index
    %swap3A_35 = arith.constant 0 : index
    %swap3A_36 = vector.load %arg4[%swap3A, %swap3A_35] : memref<1000x256xf32, #tpu.memory_space<vmem>>, vector<1000x256xf32>
    tpu.vector_store %arg4[%swap3A, %swap3A_35], %max3A_34 {strides = array<i32>} : memref<1000x256xf32, #tpu.memory_space<vmem>>, vector<1000x256xf32>,
    return
  }
}

</mosaic_0001>

<sc_bundles>
// kernel: kernel.6.cloned.1.call-start
scs
__scs_entry_jumppad:
0x0: {  	(pc) =	sbr.rel $0x88, $3  }
0x1: {  	(tag) =	ssettag $0x0;
	lr =	simm.s32 $0x1  }
0x2: {  	[smem:$0x3F98] =	sst lr;
	_ =	strace $0xD0000000  }
0x3: {  	_ = 	snop  }
0x4: {  	_ = 	snop  }
0x5: {  	_ = 	snop  }
0x6: {  	_ = 	snop  }
0x7: {  	_ = 	snop  }
__scs_overlays_trampoline_lowered:
0x8: {  	[smem:$0x3FA7] =	sst s0  }
0x9: {  	[smem:$0x3FA8] =	sst s1  }
0xa: {  	[smem:$0x3FA9] =	sst s2  }
0xb: {  	[smem:$0x3FAA] =	sst s3  }
0xc: {  	[smem:$0x3FAB] =	sst s4  }
0xd: {  	[smem:$0x3FAC] =	sst s5  }
0xe: {  	[smem:$0x3FAD] =	sst s6  }
0xf: {  	[smem:$0x3FAE] =	sst s7  }
0x10: {  	[smem:$0x3FAF] =	sst s8  }
0x11: {  	[smem:$0x3FB0] =	sst s9;
	s0 =	simm.s32 @!p0 $0x0  }
0x12: {  	s1 =	sld [smem:$0x3F96];
	s0 =	simm.s32 @p0 $0x1  }
0x13: {  	[smem:$0x3FB1] =	sst s0;
	s0 =	simm.s32 @!p1 $0x0  }
0x14: {  	s2 =	sld [smem:$0x3F95];
	s0 =	simm.s32 @p1 $0x1  }
0x15: {  	[smem:$0x3FB2] =	sst s0;
	s0 =	simm.s32 @!p2 $0x0  }
0x16: {  	s3 =	sld [smem:$0x3FDB];
	s0 =	simm.s32 @p2 $0x1  }
0x17: {  	s4 =	simm.s32 $0x1BF5;
	[smem:$0x3FB4] =	sst s0  }
0x18: {  	s0 =	sld [smem:$0x3F97];
	_ =	swait.ge [sflag:s4], $0x0  }
0x19: {  	s7 =	sld [smem:$0x3F98]  }
0x1a: {  	s8 =	sadd.s32 $0xFFFFE003, lr  }
0x1b: {  	s9 =	sadd.s32 $0xFFFFFEF7, lr;
	s5 =	simm.s32 $0xFFFFFFFF;
	p2 =	slt.u32 s8, $0xFFFFF086  }
0x1c: {  	p1 =	slt.u32 s9, $0xF7A;
	s5 =	simm.s32 @!p2 $0x0  }
0x1d: {  	s5 =	simm.s32 @p1 $0x1;
	p0 =	seq.s32 s7, s2  }
0x1e: {  	s7 =	smul.u32 @!p0 $0xF7A, s2;
	p2 =	seq.s32 @!p0 s5, $0x0  }
0x1f: {  	s9 =	smul.u32 $0xF7A, s1;
	s8 =	simm.s32 @!p0 $0x1BF5;
	p2 =	por !p2, p0  }
0x20: {  	[sflag:s8] =	ssyncset.s32 @!p0 $0xFFFFF086;
	s6 =	sadd.s32 @!p0 s3, s7;
	s7 =	simm.s32 @!p0 $0x108  }
0x21: {  	s3 =	sadd.s32 s3, s9;
	s6 =	sadd.s32 @!p0 $0x88, s6;
	s7 =	simm.s32 @p2 $0x1082  }
0x22: {  	[simem:s7], [sflag:s8] =	dma.local @!p0 [hbm:s6], $0xF7A  }
0x23: {  	s9 =	sor.u32 $0xD0000000, s2;
	s6 =	simm.s32 $0x108;
	_ =	swait.ge @!p0 [sflag:s8], $0x0  }
0x24: {  	s3 =	sadd.s32 $0x88, s3;
	s6 =	simm.s32 @!p1 $0x1082;
	[sflag:s4] =	ssyncset.s32 $0xFFFFF086  }
0x25: {  	[simem:s6], [sflag:s4] =	dma.local [hbm:s3], $0xF7A  }
0x26: {  	[smem:$0x3F98] =	sst s1;
	(tag) =	ssettag s2;
	_ =	strace s9  }
0x27: {  	s1 =	sld [smem:$0x3FA8]  }
0x28: {  	s2 =	sld [smem:$0x3FA9]  }
0x29: {  	s4 =	sld [smem:$0x3FAB]  }
0x2a: {  	p0 =	seq.s32 s5, $0x0;
	s5 =	sld [smem:$0x3FAC]  }
0x2b: {  	s6 =	sld [smem:$0x3FAD]  }
0x2c: {  	s7 =	sld [smem:$0x3FAE]  }
0x2d: {  	s3 =	simm.s32 $0x108;
	s8 =	sld [smem:$0x3FAF]  }
0x2e: {  	s3 =	simm.s32 @!p0 $0x1082;
	s9 =	sld [smem:$0x3FB0]  }
0x2f: {  	lr =	sadd.s32 s0, s3;
	s0 =	sld [smem:$0x3FA7]  }
0x30: {  	s3 =	sld [smem:$0x3FAA]  }
0x31: {  	[smem:$0x3FB3] =	sst s10  }
0x32: {  	s10 =	sld [smem:$0x3FB1];
	_ =	sdelay $0x3  }
0x33: {  	p0 =	seq.s32 s10, $0x1;
	s10 =	sld [smem:$0x3FB3];
	_ =	sdelay $0x3  }
0x34: {  	[smem:$0x3FB3] =	sst s10  }
0x35: {  	s10 =	sld [smem:$0x3FB2];
	_ =	sdelay $0x3  }
0x36: {  	p1 =	seq.s32 s10, $0x1;
	s10 =	sld [smem:$0x3FB3];
	_ =	sdelay $0x3  }
0x37: {  	[smem:$0x3FB3] =	sst s10  }
0x38: {  	s10 =	sld [smem:$0x3FB4]  }
0x39: {  	_ = 	snop;
	(pc) =	sbr.ind lr, $3  }
0x3a: {  	_ = 	snop  }
0x3b: {  	_ = 	snop  }
0x3c: {  	p2 =	seq.s32 s10, $0x1;
	s10 =	sld [smem:$0x3FB3]  }
0x3d: {  	_ =	shalt  }
0x3e: {  	_ =	shalt  }
0x3f: {  	_ =	shalt  }
0x40: {  	_ =	shalt  }
0x41: {  	_ =	shalt  }
0x42: {  	_ =	shalt  }
0x43: {  	_ =	shalt  }
0x44: {  	_ =	shalt  }
0x45: {  	_ =	shalt  }
0x46: {  	_ =	shalt  }
0x47: {  	_ =	shalt  }
0x48: {  	_ =	shalt  }
0x49: {  	_ =	shalt  }
0x4a: {  	_ =	shalt  }
0x4b: {  	_ =	shalt  }
0x4c: {  	_ =	shalt  }
0x4d: {  	_ =	shalt  }
0x4e: {  	_ =	shalt  }
0x4f: {  	_ =	shalt  }
0x50: {  	_ =	shalt  }
0x51: {  	_ =	shalt  }
0x52: {  	_ =	shalt  }
0x53: {  	_ =	shalt  }
0x54: {  	_ =	shalt  }
0x55: {  	_ =	shalt  }
0x56: {  	_ =	shalt  }
0x57: {  	_ =	shalt  }
0x58: {  	_ =	shalt  }
0x59: {  	_ =	shalt  }
0x5a: {  	_ =	shalt  }
0x5b: {  	_ =	shalt  }
0x5c: {  	_ =	shalt  }
0x5d: {  	_ =	shalt  }
0x5e: {  	_ =	shalt  }
0x5f: {  	_ =	shalt  }
0x60: {  	_ =	shalt  }
0x61: {  	_ =	shalt  }
0x62: {  	_ =	shalt  }
0x63: {  	_ =	shalt  }
0x64: {  	_ =	shalt  }
0x65: {  	_ =	shalt  }
0x66: {  	_ =	shalt  }
0x67: {  	_ =	shalt  }
0x68: {  	_ =	shalt  }
0x69: {  	_ =	shalt  }
0x6a: {  	_ =	shalt  }
0x6b: {  	_ =	shalt  }
0x6c: {  	_ =	shalt  }
0x6d: {  	_ =	shalt  }
0x6e: {  	_ =	shalt  }
0x6f: {  	_ =	shalt  }
0x70: {  	_ =	shalt  }
0x71: {  	_ =	shalt  }
0x72: {  	_ =	shalt  }
0x73: {  	_ =	shalt  }
0x74: {  	_ =	shalt  }
0x75: {  	_ =	shalt  }
0x76: {  	_ =	shalt  }
0x77: {  	_ =	shalt  }
0x78: {  	_ =	shalt  }
0x79: {  	_ =	shalt  }
0x7a: {  	_ =	shalt  }
0x7b: {  	_ =	shalt  }
0x7c: {  	_ =	shalt  }
0x7d: {  	_ =	shalt  }
0x7e: {  	_ =	shalt  }
0x7f: {  	_ =	shalt  }
0x80: {  	_ =	shalt  }
0x81: {  	_ =	shalt  }
0x82: {  	_ =	shalt  }
0x83: {  	_ =	shalt  }
0x84: {  	_ =	shalt  }
0x85: {  	_ =	shalt  }
0x86: {  	_ =	shalt  }
0x87: {  	_ =	shalt  }
.Lfunc_end0:
.L_simem_size_0:
called_computation_lowered:
.L_overlay_start_0:
0x88: {  	s2 =	sld [smem:$0x3FD9]  }
0x89: {  	s3 =	sld [smem:$0x3FFE];
	_ =	sdelay $0x1  }
0x8a: {  	s1 =	srdreg.scid  }
0x8b: {  	s0 =	sand.u32 $0x1, s1  }
0x8c: {  	s17 =	sshll.u32 s0, $0xA;
	s2 =	sadd.s32 s3, s2  }
0x8d: {  	s2 =	sadd.s32 s2, s17  }
0x8e: {  	[smem:$0x3FBF] =	sst s2  }
0x8f: {  	_ = 	snop  }
0x90: {  	s2 =	sld [smem:$0x3FD0];
	(tm) =	ssettm $0x1  }
0x91: {  	s18 =	sld [smem:$0x3FFB];
	_ =	sdelay $0x3  }
0x92: {  	_ =	strace s18  }
0x93: {  	s3 =	sld [smem:$0x3FFC];
	_ =	sdelay $0x3  }
0x94: {  	_ =	strace s3  }
0x95: {  	s3 =	sld [smem:$0x3FFD];
	_ =	sdelay $0x3  }
0x96: {  	_ =	strace s3  }
0x97: {  	_ =	strace $0x8FFFFFFF  }
0x98: {  	s19 =	sld [smem:$0x3FDB];
	_ =	sdelay $0x1  }
0x99: {  	s4 =	simm.s32 $_scs_section_size  }
0x9a: {  	s5 =	simm.s32 $_size__tile_overlayer_lowered;
	s6 =	simm.s32 $_tile_overlayer_lowered  }
0x9b: {  	s22 =	simm.s32 $0x1BFF;
	s21 =	sshll.u32 s6, $0x1;
	s3 =	sadd.s32 s4, s19  }
0x9c: {  	s7 =	simm.s32 $0x0;
	s20 =	sshll.u32 s5, $0x1;
	s5 =	sadd.s32 s21, s3  }
0x9d: {  	[timem:s7], [sflag:s22] =	dma.local [hbm:s5], s20  }
0x9e: {  	_ =	swait.ge [sflag:s22], s20  }
0x9f: {  	s4 =	ssub.s32 $0x0, s20;
	[sflag:s22] =	ssyncset.done $0x0  }
0xa0: {  	[sflag:s22] =	ssyncadd.s32 s4;
	_ =	sdelay $0x1  }
0xa1: {  	s23 =	simm.s32 $0x1B8B  }
0xa2: {  	_ =	swait.ge [sflag:s23], $0x1  }
0xa3: {  	[sflag:s23] =	ssyncset.done $0x0  }
0xa4: {  	s25 =	simm.s32 $0x1B8E;
	s24 =	sld [smem:$0x3FFE];
	[sflag:s23] =	ssyncadd.s32 $0xFFFFFFFF  }
0xa5: {  	s26 =	simm.s32 $execute0_lowered;
	[smem:$0x3FD2] =	sst s25  }
0xa6: {  	s5 =	sshll.u32 s26, $0x1;
	_ =	strace $0x80000046;
	[dreg:$0x1] =	wrdreg $0xFFFFFFFF  }
0xa7: {  	s28 =	simm.s32 $_size_execute0_lowered;
	s3 =	sadd.s32 s3, s5;
	[dreg:$0x0] =	wrdreg $0x0  }
0xa8: {  	s5 =	sshll.u32 s28, $0x1;
	[dreg:$0x2] =	wrdreg s3  }
0xa9: {  	[dreg:$0x3] =	wrdreg s5  }
0xaa: {  	[dreg:$0x4] =	wrdreg $0xC0  }
0xab: {  	_ =	task [dreg:s7], $0x5FFFF  }
0xac: {  	[dreg:$0x1] =	wrdreg $0xFFFFFFFF  }
0xad: {  	[dreg:$0x0] =	wrdreg $0x60  }
0xae: {  	[dreg:$0x2] =	wrdreg s24  }
0xaf: {  	[dreg:$0x3] =	wrdreg s2  }
0xb0: {  	[dreg:$0x4] =	wrdreg $0x0  }
0xb1: {  	[dreg:$0x5] =	wrdreg $0xFA800  }
0xb2: {  	[dreg:$0x6] =	wrdreg $0x9  }
0xb3: {  	_ =	task.clear_ibuf [dreg:s7], $0x7FFFF;
	_ =	strace $0x90000046  }
0xb4: {  	s29 =	simm.s32 $0x9;
	_ =	strace $0x80000048  }
0xb5: {  	_ =	swait.ge [sflag:s29], $0x1  }
0xb6: {  	[sflag:s29] =	ssyncadd.s32 $0xFFFFFFFF  }
0xb7: {  	_ =	strace $0x90000048  }
0xb8: {  	_ =	sfence  }
0xb9: {  	s30 =	sld [smem:$0x0];
	_ =	sdelay $0x2  }
0xba: {  	s31 =	sshll.u32 s1, $0xD;
	s1 =	sshrl.u32 s1, $0x2  }
0xbb: {  	s3 =	sand.u32 $0x4000, s31;
	s1 =	sadd.s32 s1, s30  }
0xbc: {  	s0 =	sor.u32 s3, s0;
	s1 =	sshll.u32 s1, $0x11  }
0xbd: {  	s0 =	sor.u32 s1, s0  }
0xbe: {  	s0 =	sadd.s32 $0x8F2B, s0  }
0xbf: {  	[sflag:s0] =	ssyncadd.remote.s32 $0x1  }
0xc0: {  	_ =	sfence.sel $0xFFFF  }
0xc1: {  	[dreg:$0x0] =	wrdreg $0xFFFFFFFF;
	(pc) =	sbr.abs _section_cstart, $3  }
0xc2: {  	[dreg:$0x1] =	wrdreg $0xFFFFFFFF  }
0xc3: {  	_ =	task.clear_ibuf [dreg:s7], $0x2FFFF;
	_ =	strace $0x9FFFFFFF  }
0xc4: {  	(tm) =	ssettm $0x7FFFFFFF  }
0xc5: {  	_ =	shalt  }
tec
execute0_lowered:
.L_overlay_start_1:
0x0: {  	(tag) =	ssettag $0x1  }
0x1: {  	s6 =	rddreg [dreg:$0x0]  }
0x2: {  	s13 =	rddreg [dreg:$0x1]  }
0x3: {  	s1 =	rddreg [dreg:$0x2]  }
0x4: {  	s2 =	rddreg [dreg:$0x3]  }
0x5: {  	s0 =	rddreg [dreg:$0x4];
	s4 =	simm.s32 $0x0;
	s5 =	srdreg.scid  }
0x6: {  	s3 =	stileid.u32;
	s20 =	simm.s32 $0x80;
	s21 =	simm.s32 $0x1  }
0x7: {  	s22 =	simm.s32 $0x19A28;
	[smem:$0x7FF] =	sst s4;
	s8 =	sand.u32 $0x1, s5  }
0x8: {  	s7 =	sshll.u32 s3, $0x8;
	s5 =	sadd.s32 $0x2400, s6;
	s14 =	sadd.s32 $0x54600, s6  }
0x9: {  	_ =	strace $0x80000047;
	s9 =	sshll.u32 s8, $0xC;
	s18 =	smul.u32 $0xFA000, s8  }
0xa: {  	s10 =	ssub.s32 $0x2, s8;
	s12 =	smin.u32 s7, $0xEA0;
	s19 =	smul.u32 $0xFA00, s8  }
0xb: {  	s9 =	sor.u32 s7, s9;
	s28 =	sshrl.u32 s10, $0x1;
	s16 =	sshll.u32 s12, $0x8  }
0xc: {  	s12 =	sshll.u32 s12, $0x4;
	s11 =	sadd.s32 s9, s6;
	s15 =	ssub.s32 s10, s28  }
0xd: {  	s6 =	sadd.s32 s16, s1;
	s17 =	sadd.s32 $0x8000, s16;
	s8 =	sadd.s32 s12, s2  }
0xe: {  	s29 =	sadd.s32 s18, s16;
	s12 =	sadd.s32 s19, s12;
	s19 =	simm.s32 $0x11228  }
0xf: {  	s7 =	sadd.s32 s17, s1;
	s9 =	sadd.s32 $0x52600, s11;
	s10 =	sadd.s32 $0x50600, s11  }
0x10: {  	s30 =	sadd.s32 s18, s17;
	s11 =	sshrl.u32 s29, $0x3;
	s31 =	sshrl.u32 s12, $0x3  }
0x11: {  	s17 =	simm.s32 $0x1A228;
	s18 =	simm.s32 $0x10A28;
	s16 =	sshrl.u32 s30, $0x3  }
0x12: {  	s11 =	sadd.s32 s14, s11;
	s13 =	sadd.s32 s13, s31;
	s12 =	sadd.s32 s14, s16  }
0x13: {  	v0 =	vimm.f32 $0.0e+00;
	v1 =	vimm.f32 $1.000000000e+00;
	s14 =	smax.u32 s15, $0x1;
	s15 =	simm.s32 $0x11A28;
	s16 =	simm.s32 $0x2  }
.LBB2_1:
0x14: {  	s23 =	simm.s32 $0x0;
	s24 =	simm.s32 $0x400  }
.LBB2_2:
0x15: {  	p0 =	sne.s32 s24, $0x1FC00;
	[tilespmem:s23+$0x11B18] =	vst v0  }
0x16: {  	[tilespmem:s23+$0x11A28] =	vst v0  }
0x17: {  	[tilespmem:s23+$0x11A38] =	vst v0  }
0x18: {  	[tilespmem:s23+$0x11A48] =	vst v0  }
0x19: {  	[tilespmem:s23+$0x11A58] =	vst v0  }
0x1a: {  	[tilespmem:s23+$0x11A68] =	vst v0  }
0x1b: {  	[tilespmem:s23+$0x11A78] =	vst v0  }
0x1c: {  	[tilespmem:s23+$0x11A88] =	vst v0  }
0x1d: {  	[tilespmem:s23+$0x11A98] =	vst v0  }
0x1e: {  	[tilespmem:s23+$0x11AA8] =	vst v0  }
0x1f: {  	[tilespmem:s23+$0x11AB8] =	vst v0  }
.Ltmp0:
0x20: {  	[tilespmem:s23+$0x11AC8] =	vst v0;
	(pc) =	sbr.rel @p0 .LBB2_2-.Ltmp0, $4  }
0x21: {  	[tilespmem:s23+$0x11AD8] =	vst v0  }
0x22: {  	[tilespmem:s23+$0x11AE8] =	vst v0  }
0x23: {  	[tilespmem:s23+$0x11AF8] =	vst v0  }
0x24: {  	[tilespmem:s23+$0x11B08] =	vst v0;
	s23 =	sshra.s32 s24, $0x2;
	s24 =	sadd.s32 $0x400, s24  }
0x25: {  	[tilespmem:s23+$0x11B18] =	vst v0  }
0x26: {  	[tilespmem:s23+$0x11A28] =	vst v0  }
0x27: {  	[tilespmem:s23+$0x11A38] =	vst v0  }
0x28: {  	[tilespmem:s23+$0x11A48] =	vst v0  }
0x29: {  	[tilespmem:s23+$0x11A58] =	vst v0  }
0x2a: {  	[tilespmem:s23+$0x11A68] =	vst v0  }
0x2b: {  	[tilespmem:s23+$0x11A78] =	vst v0  }
0x2c: {  	[tilespmem:s23+$0x11A88] =	vst v0  }
0x2d: {  	[tilespmem:s23+$0x11A98] =	vst v0  }
0x2e: {  	[tilespmem:s23+$0x11AA8] =	vst v0  }
0x2f: {  	[tilespmem:s23+$0x11AB8] =	vst v0  }
0x30: {  	[tilespmem:s23+$0x11AC8] =	vst v0  }
0x31: {  	[tilespmem:s23+$0x11AD8] =	vst v0  }
0x32: {  	[tilespmem:s23+$0x11AE8] =	vst v0  }
0x33: {  	[tilespmem:s23+$0x11AF8] =	vst v0  }
0x34: {  	[tilespmem:s23+$0x11B08] =	vst v0;
	s23 =	simm.s32 $0x40;
	s24 =	simm.s32 $0x0  }
.LBB2_4:
0x35: {  	p0 =	sne.s32 s23, $0x3FC0;
	[tilespmem:s24+$0x1A228] =	vst v0;
	s24 =	smov.u32 s23;
	s23 =	sadd.s32 $0x40, s23  }
.Ltmp1:
0x36: {  	(pc) =	sbr.rel @p0 .LBB2_4-.Ltmp1, $2  }
0x37: {  	_ =	sdelay $0x2  }
0x38: {  	s24 =	sshra.s32 s24, $0x2  }
0x39: {  	[tilespmem:s24+$0x1A228] =	vst v0;
	s23 =	simm.s32 $0x40;
	s24 =	simm.s32 $0x0  }
.LBB2_6:
0x3a: {  	p0 =	sne.s32 s23, $0x1FC0;
	[tilespmem:s24+$0x19A28] =	vst v1;
	s24 =	smov.u32 s23;
	s23 =	sadd.s32 $0x40, s23  }
.Ltmp2:
0x3b: {  	(pc) =	sbr.rel @p0 .LBB2_6-.Ltmp2, $2  }
0x3c: {  	_ =	sdelay $0x2  }
0x3d: {  	s24 =	sshra.s32 s24, $0x2  }
0x3e: {  	[tilespmem:s24+$0x19A28] =	vst v1  }
0x3f: {  	[spmem:s6] =	stream.linear.scatter [tilespmem:s15], [sflag:$0x2], $0x8000, $0x38;
	[tilespmem:$0x1B228] =	vst v63  }
0x40: {  	_ =	swait.ge [sflag:s16], $0x8000  }
0x41: {  	[sflag:s16] =	ssyncset.done $0x0  }
0x42: {  	[sflag:s16] =	ssyncadd.s32 $0xFFFF8000  }
0x43: {  	[spmem:s7] =	stream.linear.scatter [tilespmem:s15], [sflag:$0x2], $0x8000, $0x38;
	[tilespmem:$0x1B228] =	vst v63  }
0x44: {  	_ =	swait.ge [sflag:s16], $0x8000  }
0x45: {  	[sflag:s16] =	ssyncset.done $0x0  }
0x46: {  	[sflag:s16] =	ssyncadd.s32 $0xFFFF8000  }
0x47: {  	[spmem:s8] =	stream.linear.scatter [tilespmem:s17], [sflag:$0x2], $0x1000, $0x38;
	[tilespmem:$0x1B228] =	vst v63  }
0x48: {  	_ =	swait.ge [sflag:s16], $0x1000  }
0x49: {  	[sflag:s16] =	ssyncset.done $0x0  }
0x4a: {  	s23 =	simm.s32 $0x0;
	[sflag:s16] =	ssyncadd.s32 $0xFFFFF000  }
0x4b: {  	[tilespmem:s18], [sflag:$0x2] =	stream.linear.gather [hbm4b:s9+s23], $0x800, $0x38;
	[tilespmem:$0x1B228] =	vst v63  }
0x4c: {  	_ =	swait.ge [sflag:s16], $0x800  }
0x4d: {  	[sflag:s16] =	ssyncset.done $0x0  }
0x4e: {  	[sflag:s16] =	ssyncadd.s32 $0xFFFFF800  }
0x4f: {  	[tilespmem:s19], [sflag:$0x2] =	stream.linear.gather [hbm4b:s10+s23], $0x800, $0x38;
	[tilespmem:$0x1B228] =	vst v63  }
0x50: {  	_ =	swait.ge [sflag:s16], $0x800  }
0x51: {  	[sflag:s16] =	ssyncset.done $0x0  }
0x52: {  	[sflag:s16] =	ssyncadd.s32 $0xFFFFF800  }
0x53: {  	s30 =	simm.s32 $0x10A28;
	[bflag:$0x0] =	sbarrier.arrive $0xFFFF  }
0x54: {  	[tilespmem:s15], [sflag:$0x1] =	stream.indirect.gather [hbm4b:s5+s20], $0x100, s30, s20, $0xb8;
	[tilespmem:$0x1B228] =	vst v63  }
0x55: {  	_ =	swait.ge [sflag:s21], $0x8000  }
0x56: {  	[sflag:s21] =	ssyncset.done $0x0  }
0x57: {  	s31 =	simm.s32 $0x11228;
	[sflag:s21] =	ssyncadd.s32 $0xFFFF8000  }
0x58: {  	[spmem:s1] =	stream.indirect.scatter.add.f32 [tilespmem:s15], [sflag:$0x2], $0x100, s31, s20, $0xb8;
	[tilespmem:$0x1B228] =	vst v63  }
0x59: {  	_ =	swait.ge [sflag:s16], $0x8000  }
0x5a: {  	[sflag:s16] =	ssyncset.done $0x0  }
0x5b: {  	[sflag:s16] =	ssyncadd.s32 $0xFFFF8000  }
0x5c: {  	[spmem:s2] =	stream.indirect.scatter.add.f32 [tilespmem:s22], [sflag:$0x2], $0x10, s31, s20, $0xb8;
	[tilespmem:$0x1B228] =	vst v63  }
0x5d: {  	_ =	swait.ge [sflag:s16], $0x800  }
0x5e: {  	s24 =	simm.s32 $0x400;
	s23 =	simm.s32 $0x80;
	[sflag:s16] =	ssyncset.done $0x0  }
.LBB2_8:
0x5f: {  	s25 =	sadd.s32 $0x10A28, s23  }
0x60: {  	[sflag:s16] =	ssyncadd.s32 $0xFFFFF800;
	s26 =	smov.u32 s24;
	s28 =	sadd.s32 $0x200, s24  }
0x61: {  	[tilespmem:s15], [sflag:$0x1] =	stream.indirect.gather [hbm4b:s5+s20], $0x100, s25, s20, $0xb8;
	[tilespmem:$0x1B228] =	vst v63  }
0x62: {  	p0 =	sne.s32 s24, $0x1E00;
	_ =	swait.ge [sflag:s21], $0x8000  }
0x63: {  	[sflag:s21] =	ssyncset.done $0x0  }
0x64: {  	s23 =	sadd.s32 $0x11228, s23;
	[sflag:s21] =	ssyncadd.s32 $0xFFFF8000  }
0x65: {  	[spmem:s1] =	stream.indirect.scatter.add.f32 [tilespmem:s15], [sflag:$0x2], $0x100, s23, s20, $0xb8;
	[tilespmem:$0x1B228] =	vst v63  }
0x66: {  	_ =	swait.ge [sflag:s16], $0x8000  }
.Ltmp3:
0x67: {  	[sflag:s16] =	ssyncset.done $0x0;
	(pc) =	sbr.rel @p0 .LBB2_8-.Ltmp3, $4  }
0x68: {  	[sflag:s16] =	ssyncadd.s32 $0xFFFF8000  }
0x69: {  	[spmem:s2] =	stream.indirect.scatter.add.f32 [tilespmem:s22], [sflag:$0x2], $0x10, s23, s20, $0xb8;
	[tilespmem:$0x1B228] =	vst v63  }
0x6a: {  	_ =	swait.ge [sflag:s16], $0x800  }
0x6b: {  	s24 =	smov.u32 s28;
	s23 =	sshra.s32 s26, $0x2;
	[sflag:s16] =	ssyncset.done $0x0  }
0x6c: {  	s24 =	sadd.s32 $0x10A28, s23;
	[sflag:s16] =	ssyncadd.s32 $0xFFFFF800  }
0x6d: {  	[tilespmem:s15], [sflag:$0x1] =	stream.indirect.gather [hbm4b:s5+s20], $0x100, s24, s20, $0xb8;
	[tilespmem:$0x1B228] =	vst v63  }
0x6e: {  	_ =	swait.ge [sflag:s21], $0x8000  }
0x6f: {  	[sflag:s21] =	ssyncset.done $0x0  }
0x70: {  	s26 =	sadd.s32 $0x11228, s23;
	[sflag:s21] =	ssyncadd.s32 $0xFFFF8000  }
0x71: {  	[spmem:s1] =	stream.indirect.scatter.add.f32 [tilespmem:s15], [sflag:$0x2], $0x100, s26, s20, $0xb8;
	[tilespmem:$0x1B228] =	vst v63  }
0x72: {  	_ =	swait.ge [sflag:s16], $0x8000  }
0x73: {  	[sflag:s16] =	ssyncset.done $0x0  }
0x74: {  	[sflag:s16] =	ssyncadd.s32 $0xFFFF8000  }
0x75: {  	[spmem:s2] =	stream.indirect.scatter.add.f32 [tilespmem:s22], [sflag:$0x2], $0x10, s26, s20, $0xb8;
	[tilespmem:$0x1B228] =	vst v63  }
0x76: {  	_ =	swait.ge [sflag:s16], $0x800  }
0x77: {  	[sflag:s16] =	ssyncset.done $0x0  }
0x78: {  	s28 =	sshll.u32 s3, $0x6;
	[sflag:s16] =	ssyncadd.s32 $0xFFFFF800  }
0x79: {  	s29 =	sshrl.u32 s6, $0x3;
	s23 =	sor.u32 $0x1C02, s28;
	[bflag:$0x0] =	sbarrier.arrive $0xFFFF  }
0x7a: {  	[hbm:s11], [sflag:s23] =	dma.local [spmem:s29], $0x1000  }
0x7b: {  	_ =	swait.ge [sflag:s16], $0x1000  }
0x7c: {  	[sflag:s16] =	ssyncset.done $0x0  }
0x7d: {  	s30 =	sshrl.u32 s7, $0x3;
	[sflag:s16] =	ssyncadd.s32 $0xFFFFF000  }
0x7e: {  	[hbm:s12], [sflag:s23] =	dma.local [spmem:s30], $0x1000  }
0x7f: {  	s4 =	sadd.s32 $0x1, s4;
	_ =	swait.ge [sflag:s16], $0x1000  }
0x80: {  	p0 =	sne.s32 s4, s14;
	[sflag:s16] =	ssyncset.done $0x0  }
.Ltmp4:
0x81: {  	s31 =	sshrl.u32 s8, $0x3;
	[sflag:s16] =	ssyncadd.s32 $0xFFFFF000;
	(pc) =	sbr.rel @p0 .LBB2_1-.Ltmp4, $4  }
0x82: {  	[hbm:s13], [sflag:s23] =	dma.local [spmem:s31], $0x200  }
0x83: {  	_ =	swait.ge [sflag:s16], $0x200  }
0x84: {  	[sflag:s16] =	ssyncset.done $0x0  }
0x85: {  	[sflag:s16] =	ssyncadd.s32 $0xFFFFFE00  }
0x86: {  	_ =	sfence.sel $0x180000  }
0x87: {  	[bflag:$0x0] =	sbarrier.arrive $0xFFFF  }
0x88: {  	p0 =	sne.s32 s3, $0x0;
	_ =	strace $0x90000047  }
0x89: {  	s0 =	sadd.s32 @!p0 $0x100000, s0;
	[bflag:$0x2] =	sbarrier.arrive $0xFFFF  }
0x8a: {  	[sflag:s0] =	ssyncadd.tile.s32 @!p0 $0x1;
	_ =	shalt  }
.Lfunc_end2:
_tile_overlayer_lowered:
.L_overlay_start_2:
0x8b: {  	(tag) =	ssettag $0x2  }
0x8c: {  	s0 =	rddreg [dreg:$0x0];
	s2 =	stileid.u32  }
0x8d: {  	s1 =	rddreg [dreg:$0x1];
	p0 =	sne.s32 s2, $0x0  }
0x8e: {  	s3 =	rddreg [dreg:$0x2];
	[bflag:$0x3] =	sbarrier.arrive $0xFFFF;
	s2 =	simm.s32 @!p0 $0x1C02  }
0x8f: {  	[timem:s3], [sflag:s2] =	dma.local @!p0 [hbm:s0], s1  }
0x90: {  	s0 =	simm.s32 @!p0 $0x2  }
0x91: {  	_ =	swait.ge @!p0 [sflag:s0], s1  }
0x92: {  	s1 =	ssub.s32 @!p0 $0x0, s1;
	[sflag:s0] =	ssyncset.done @!p0 $0x0  }
0x93: {  	[sflag:s0] =	ssyncadd.s32 @!p0 s1  }
0x94: {  	[bflag:$0x3] =	sbarrier.arrive $0xFFFF  }
0x95: {  	_ =	shalt  }

// kernel: kernel.9.cloned.1.call-start
scs
__scs_entry_jumppad:
0x0: {  	(pc) =	sbr.rel $0x88, $3  }
0x1: {  	(tag) =	ssettag $0x0;
	lr =	simm.s32 $0x1  }
0x2: {  	[smem:$0x3F98] =	sst lr;
	_ =	strace $0xD0000000  }
0x3: {  	_ = 	snop  }
0x4: {  	_ = 	snop  }
0x5: {  	_ = 	snop  }
0x6: {  	_ = 	snop  }
0x7: {  	_ = 	snop  }
__scs_overlays_trampoline_lowered:
0x8: {  	[smem:$0x3FA7] =	sst s0  }
0x9: {  	[smem:$0x3FA8] =	sst s1  }
0xa: {  	[smem:$0x3FA9] =	sst s2  }
0xb: {  	[smem:$0x3FAA] =	sst s3  }
0xc: {  	[smem:$0x3FAB] =	sst s4  }
0xd: {  	[smem:$0x3FAC] =	sst s5  }
0xe: {  	[smem:$0x3FAD] =	sst s6  }
0xf: {  	[smem:$0x3FAE] =	sst s7  }
0x10: {  	[smem:$0x3FAF] =	sst s8  }
0x11: {  	[smem:$0x3FB0] =	sst s9;
	s0 =	simm.s32 @!p0 $0x0  }
0x12: {  	s1 =	sld [smem:$0x3F96];
	s0 =	simm.s32 @p0 $0x1  }
0x13: {  	[smem:$0x3FB1] =	sst s0;
	s0 =	simm.s32 @!p1 $0x0  }
0x14: {  	s2 =	sld [smem:$0x3F95];
	s0 =	simm.s32 @p1 $0x1  }
0x15: {  	[smem:$0x3FB2] =	sst s0;
	s0 =	simm.s32 @!p2 $0x0  }
0x16: {  	s3 =	sld [smem:$0x3FDB];
	s0 =	simm.s32 @p2 $0x1  }
0x17: {  	s4 =	simm.s32 $0x1BF5;
	[smem:$0x3FB4] =	sst s0  }
0x18: {  	s0 =	sld [smem:$0x3F97];
	_ =	swait.ge [sflag:s4], $0x0  }
0x19: {  	s7 =	sld [smem:$0x3F98]  }
0x1a: {  	s8 =	sadd.s32 $0xFFFFE003, lr  }
0x1b: {  	s9 =	sadd.s32 $0xFFFFFEF7, lr;
	s5 =	simm.s32 $0xFFFFFFFF;
	p2 =	slt.u32 s8, $0xFFFFF086  }
0x1c: {  	p1 =	slt.u32 s9, $0xF7A;
	s5 =	simm.s32 @!p2 $0x0  }
0x1d: {  	s5 =	simm.s32 @p1 $0x1;
	p0 =	seq.s32 s7, s2  }
0x1e: {  	s7 =	smul.u32 @!p0 $0xF7A, s2;
	p2 =	seq.s32 @!p0 s5, $0x0  }
0x1f: {  	s9 =	smul.u32 $0xF7A, s1;
	s8 =	simm.s32 @!p0 $0x1BF5;
	p2 =	por !p2, p0  }
0x20: {  	[sflag:s8] =	ssyncset.s32 @!p0 $0xFFFFF086;
	s6 =	sadd.s32 @!p0 s3, s7;
	s7 =	simm.s32 @!p0 $0x108  }
0x21: {  	s3 =	sadd.s32 s3, s9;
	s6 =	sadd.s32 @!p0 $0x88, s6;
	s7 =	simm.s32 @p2 $0x1082  }
0x22: {  	[simem:s7], [sflag:s8] =	dma.local @!p0 [hbm:s6], $0xF7A  }
0x23: {  	s9 =	sor.u32 $0xD0000000, s2;
	s6 =	simm.s32 $0x108;
	_ =	swait.ge @!p0 [sflag:s8], $0x0  }
0x24: {  	s3 =	sadd.s32 $0x88, s3;
	s6 =	simm.s32 @!p1 $0x1082;
	[sflag:s4] =	ssyncset.s32 $0xFFFFF086  }
0x25: {  	[simem:s6], [sflag:s4] =	dma.local [hbm:s3], $0xF7A  }
0x26: {  	[smem:$0x3F98] =	sst s1;
	(tag) =	ssettag s2;
	_ =	strace s9  }
0x27: {  	s1 =	sld [smem:$0x3FA8]  }
0x28: {  	s2 =	sld [smem:$0x3FA9]  }
0x29: {  	s4 =	sld [smem:$0x3FAB]  }
0x2a: {  	p0 =	seq.s32 s5, $0x0;
	s5 =	sld [smem:$0x3FAC]  }
0x2b: {  	s6 =	sld [smem:$0x3FAD]  }
0x2c: {  	s7 =	sld [smem:$0x3FAE]  }
0x2d: {  	s3 =	simm.s32 $0x108;
	s8 =	sld [smem:$0x3FAF]  }
0x2e: {  	s3 =	simm.s32 @!p0 $0x1082;
	s9 =	sld [smem:$0x3FB0]  }
0x2f: {  	lr =	sadd.s32 s0, s3;
	s0 =	sld [smem:$0x3FA7]  }
0x30: {  	s3 =	sld [smem:$0x3FAA]  }
0x31: {  	[smem:$0x3FB3] =	sst s10  }
0x32: {  	s10 =	sld [smem:$0x3FB1];
	_ =	sdelay $0x3  }
0x33: {  	p0 =	seq.s32 s10, $0x1;
	s10 =	sld [smem:$0x3FB3];
	_ =	sdelay $0x3  }
0x34: {  	[smem:$0x3FB3] =	sst s10  }
0x35: {  	s10 =	sld [smem:$0x3FB2];
	_ =	sdelay $0x3  }
0x36: {  	p1 =	seq.s32 s10, $0x1;
	s10 =	sld [smem:$0x3FB3];
	_ =	sdelay $0x3  }
0x37: {  	[smem:$0x3FB3] =	sst s10  }
0x38: {  	s10 =	sld [smem:$0x3FB4]  }
0x39: {  	_ = 	snop;
	(pc) =	sbr.ind lr, $3  }
0x3a: {  	_ = 	snop  }
0x3b: {  	_ = 	snop  }
0x3c: {  	p2 =	seq.s32 s10, $0x1;
	s10 =	sld [smem:$0x3FB3]  }
0x3d: {  	_ =	shalt  }
0x3e: {  	_ =	shalt  }
0x3f: {  	_ =	shalt  }
0x40: {  	_ =	shalt  }
0x41: {  	_ =	shalt  }
0x42: {  	_ =	shalt  }
0x43: {  	_ =	shalt  }
0x44: {  	_ =	shalt  }
0x45: {  	_ =	shalt  }
0x46: {  	_ =	shalt  }
0x47: {  	_ =	shalt  }
0x48: {  	_ =	shalt  }
0x49: {  	_ =	shalt  }
0x4a: {  	_ =	shalt  }
0x4b: {  	_ =	shalt  }
0x4c: {  	_ =	shalt  }
0x4d: {  	_ =	shalt  }
0x4e: {  	_ =	shalt  }
0x4f: {  	_ =	shalt  }
0x50: {  	_ =	shalt  }
0x51: {  	_ =	shalt  }
0x52: {  	_ =	shalt  }
0x53: {  	_ =	shalt  }
0x54: {  	_ =	shalt  }
0x55: {  	_ =	shalt  }
0x56: {  	_ =	shalt  }
0x57: {  	_ =	shalt  }
0x58: {  	_ =	shalt  }
0x59: {  	_ =	shalt  }
0x5a: {  	_ =	shalt  }
0x5b: {  	_ =	shalt  }
0x5c: {  	_ =	shalt  }
0x5d: {  	_ =	shalt  }
0x5e: {  	_ =	shalt  }
0x5f: {  	_ =	shalt  }
0x60: {  	_ =	shalt  }
0x61: {  	_ =	shalt  }
0x62: {  	_ =	shalt  }
0x63: {  	_ =	shalt  }
0x64: {  	_ =	shalt  }
0x65: {  	_ =	shalt  }
0x66: {  	_ =	shalt  }
0x67: {  	_ =	shalt  }
0x68: {  	_ =	shalt  }
0x69: {  	_ =	shalt  }
0x6a: {  	_ =	shalt  }
0x6b: {  	_ =	shalt  }
0x6c: {  	_ =	shalt  }
0x6d: {  	_ =	shalt  }
0x6e: {  	_ =	shalt  }
0x6f: {  	_ =	shalt  }
0x70: {  	_ =	shalt  }
0x71: {  	_ =	shalt  }
0x72: {  	_ =	shalt  }
0x73: {  	_ =	shalt  }
0x74: {  	_ =	shalt  }
0x75: {  	_ =	shalt  }
0x76: {  	_ =	shalt  }
0x77: {  	_ =	shalt  }
0x78: {  	_ =	shalt  }
0x79: {  	_ =	shalt  }
0x7a: {  	_ =	shalt  }
0x7b: {  	_ =	shalt  }
0x7c: {  	_ =	shalt  }
0x7d: {  	_ =	shalt  }
0x7e: {  	_ =	shalt  }
0x7f: {  	_ =	shalt  }
0x80: {  	_ =	shalt  }
0x81: {  	_ =	shalt  }
0x82: {  	_ =	shalt  }
0x83: {  	_ =	shalt  }
0x84: {  	_ =	shalt  }
0x85: {  	_ =	shalt  }
0x86: {  	_ =	shalt  }
0x87: {  	_ =	shalt  }
.Lfunc_end0:
.L_simem_size_0:
called_computation.1_lowered:
.L_overlay_start_0:
0x88: {  	s2 =	sld [smem:$0x3FD9]  }
0x89: {  	s3 =	sld [smem:$0x3FFE];
	_ =	sdelay $0x1  }
0x8a: {  	s1 =	srdreg.scid  }
0x8b: {  	s0 =	sand.u32 $0x1, s1  }
0x8c: {  	s17 =	sshll.u32 s0, $0xA;
	s2 =	sadd.s32 s3, s2  }
0x8d: {  	s2 =	sadd.s32 s2, s17  }
0x8e: {  	[smem:$0x3FBF] =	sst s2  }
0x8f: {  	_ = 	snop  }
0x90: {  	s2 =	sld [smem:$0x3FD0];
	(tm) =	ssettm $0x1  }
0x91: {  	s18 =	sld [smem:$0x3FFB];
	_ =	sdelay $0x3  }
0x92: {  	_ =	strace s18  }
0x93: {  	s3 =	sld [smem:$0x3FFC];
	_ =	sdelay $0x3  }
0x94: {  	_ =	strace s3  }
0x95: {  	s3 =	sld [smem:$0x3FFD];
	_ =	sdelay $0x3  }
0x96: {  	_ =	strace s3  }
0x97: {  	_ =	strace $0x8FFFFFFF  }
0x98: {  	s19 =	sld [smem:$0x3FDB];
	_ =	sdelay $0x1  }
0x99: {  	s4 =	simm.s32 $_scs_section_size  }
0x9a: {  	s5 =	simm.s32 $_size__tile_overlayer_lowered;
	s6 =	simm.s32 $_tile_overlayer_lowered  }
0x9b: {  	s22 =	simm.s32 $0x1BFF;
	s21 =	sshll.u32 s6, $0x1;
	s3 =	sadd.s32 s4, s19  }
0x9c: {  	s7 =	simm.s32 $0x0;
	s20 =	sshll.u32 s5, $0x1;
	s5 =	sadd.s32 s21, s3  }
0x9d: {  	[timem:s7], [sflag:s22] =	dma.local [hbm:s5], s20  }
0x9e: {  	_ =	swait.ge [sflag:s22], s20  }
0x9f: {  	s4 =	ssub.s32 $0x0, s20;
	[sflag:s22] =	ssyncset.done $0x0  }
0xa0: {  	[sflag:s22] =	ssyncadd.s32 s4;
	_ =	sdelay $0x1  }
0xa1: {  	s23 =	simm.s32 $0x1B8B  }
0xa2: {  	_ =	swait.ge [sflag:s23], $0x1  }
0xa3: {  	[sflag:s23] =	ssyncset.done $0x0  }
0xa4: {  	s25 =	simm.s32 $0x1B8E;
	s24 =	sld [smem:$0x3FFE];
	[sflag:s23] =	ssyncadd.s32 $0xFFFFFFFF  }
0xa5: {  	s26 =	simm.s32 $execute0_lowered;
	[smem:$0x3FD2] =	sst s25  }
0xa6: {  	s5 =	sshll.u32 s26, $0x1;
	_ =	strace $0x80000049;
	[dreg:$0x1] =	wrdreg $0xFFFFFFFF  }
0xa7: {  	s28 =	simm.s32 $_size_execute0_lowered;
	s3 =	sadd.s32 s3, s5;
	[dreg:$0x0] =	wrdreg $0x0  }
0xa8: {  	s5 =	sshll.u32 s28, $0x1;
	[dreg:$0x2] =	wrdreg s3  }
0xa9: {  	[dreg:$0x3] =	wrdreg s5  }
0xaa: {  	[dreg:$0x4] =	wrdreg $0xC0  }
0xab: {  	_ =	task [dreg:s7], $0x5FFFF  }
0xac: {  	[dreg:$0x1] =	wrdreg $0xFFFFFFFF  }
0xad: {  	[dreg:$0x0] =	wrdreg $0x60  }
0xae: {  	[dreg:$0x2] =	wrdreg s24  }
0xaf: {  	[dreg:$0x3] =	wrdreg s2  }
0xb0: {  	[dreg:$0x4] =	wrdreg $0x0  }
0xb1: {  	[dreg:$0x5] =	wrdreg $0x7E000  }
0xb2: {  	[dreg:$0x6] =	wrdreg $0x9  }
0xb3: {  	_ =	task.clear_ibuf [dreg:s7], $0x7FFFF;
	_ =	strace $0x90000049  }
0xb4: {  	s29 =	simm.s32 $0x9;
	_ =	strace $0x8000004B  }
0xb5: {  	_ =	swait.ge [sflag:s29], $0x1  }
0xb6: {  	[sflag:s29] =	ssyncadd.s32 $0xFFFFFFFF  }
0xb7: {  	_ =	strace $0x9000004B  }
0xb8: {  	_ =	sfence  }
0xb9: {  	s30 =	sld [smem:$0x0];
	_ =	sdelay $0x2  }
0xba: {  	s31 =	sshll.u32 s1, $0xD;
	s1 =	sshrl.u32 s1, $0x2  }
0xbb: {  	s3 =	sand.u32 $0x4000, s31;
	s1 =	sadd.s32 s1, s30  }
0xbc: {  	s0 =	sor.u32 s3, s0;
	s1 =	sshll.u32 s1, $0x11  }
0xbd: {  	s0 =	sor.u32 s1, s0  }
0xbe: {  	s0 =	sadd.s32 $0x8F2B, s0  }
0xbf: {  	[sflag:s0] =	ssyncadd.remote.s32 $0x1  }
0xc0: {  	_ =	sfence.sel $0xFFFF  }
0xc1: {  	[dreg:$0x0] =	wrdreg $0xFFFFFFFF;
	(pc) =	sbr.abs _section_cstart, $3  }
0xc2: {  	[dreg:$0x1] =	wrdreg $0xFFFFFFFF  }
0xc3: {  	_ =	task.clear_ibuf [dreg:s7], $0x2FFFF;
	_ =	strace $0x9FFFFFFF  }
0xc4: {  	(tm) =	ssettm $0x7FFFFFFF  }
0xc5: {  	_ =	shalt  }
tec
execute0_lowered:
.L_overlay_start_1:
0x0: {  	(tag) =	ssettag $0x1  }
0x1: {  	s7 =	rddreg [dreg:$0x0]  }
0x2: {  	s12 =	rddreg [dreg:$0x1]  }
0x3: {  	s1 =	rddreg [dreg:$0x2]  }
0x4: {  	s2 =	rddreg [dreg:$0x3]  }
0x5: {  	s0 =	rddreg [dreg:$0x4];
	s4 =	simm.s32 $0x0  }
0x6: {  	s5 =	srdreg.scid;
	s3 =	stileid.u32;
	s18 =	simm.s32 $0x83F0  }
0x7: {  	s19 =	simm.s32 $0x80;
	s20 =	simm.s32 $0x1;
	s21 =	simm.s32 $0x185F0  }
0x8: {  	s22 =	simm.s32 $0x8270;
	s23 =	simm.s32 $0x8470;
	s28 =	simm.s32 $0x8570  }
0x9: {  	s29 =	simm.s32 $0x0;
	[smem:$0x7FF] =	sst s4;
	s8 =	sand.u32 $0x1, s5  }
0xa: {  	s5 =	sshll.u32 s3, $0x6;
	s6 =	sadd.s32 $0x2400, s7;
	_ =	strace $0x8000004A  }
0xb: {  	s9 =	sshll.u32 s8, $0xA;
	s10 =	smin.u32 s5, $0x3A8;
	s11 =	smul.u32 $0x7D000, s8  }
0xc: {  	s25 =	ssub.s32 $0x2, s8;
	s16 =	smul.u32 $0x3E80, s8;
	s9 =	sor.u32 s5, s9  }
0xd: {  	s13 =	sshll.u32 s10, $0x9;
	s15 =	sshrl.u32 s25, $0x1;
	s26 =	sshll.u32 s10, $0x4  }
0xe: {  	s14 =	sadd.s32 s9, s7;
	s24 =	sadd.s32 s11, s13;
	s15 =	ssub.s32 s25, s15  }
0xf: {  	s8 =	sadd.s32 s26, s2;
	s30 =	sadd.s32 s16, s26;
	s16 =	simm.s32 $0x18DF0  }
0x10: {  	s25 =	simm.s32 $0x84F0;
	s26 =	simm.s32 $0x8370;
	s9 =	sshrl.u32 s24, $0x3  }
0x11: {  	s10 =	sadd.s32 $0x93600, s14;
	s31 =	sshrl.u32 s30, $0x3;
	s24 =	simm.s32 $0x82F0  }
0x12: {  	s17 =	sadd.s32 s9, s7;
	s7 =	sadd.s32 s13, s1;
	s9 =	sadd.s32 $0x92E00, s14  }
0x13: {  	s12 =	sadd.s32 s12, s31;
	s13 =	smax.u32 s15, $0x1;
	s14 =	simm.s32 $0x85F0  }
0x14: {  	v0 =	vimm.f32 $0.0e+00;
	v1 =	vimm.f32 $1.000000000e+00;
	s15 =	simm.s32 $0x2;
	s11 =	sadd.s32 $0x40C00, s17;
	s17 =	simm.s32 $0x81F0  }
.LBB2_1:
0x15: {  	s30 =	simm.s32 $0x0;
	s31 =	simm.s32 $0x800  }
.LBB2_2:
0x16: {  	p0 =	sne.s32 s31, $0x3F800;
	[tilespmem:s30+$0x87E0] =	vst v0  }
0x17: {  	[tilespmem:s30+$0x85F0] =	vst v0  }
0x18: {  	[tilespmem:s30+$0x8600] =	vst v0  }
0x19: {  	[tilespmem:s30+$0x8610] =	vst v0  }
0x1a: {  	[tilespmem:s30+$0x8620] =	vst v0  }
0x1b: {  	[tilespmem:s30+$0x8630] =	vst v0  }
0x1c: {  	[tilespmem:s30+$0x8640] =	vst v0  }
0x1d: {  	[tilespmem:s30+$0x8650] =	vst v0  }
0x1e: {  	[tilespmem:s30+$0x8660] =	vst v0  }
0x1f: {  	[tilespmem:s30+$0x8670] =	vst v0  }
0x20: {  	[tilespmem:s30+$0x8680] =	vst v0  }
0x21: {  	[tilespmem:s30+$0x8690] =	vst v0  }
0x22: {  	[tilespmem:s30+$0x86A0] =	vst v0  }
0x23: {  	[tilespmem:s30+$0x86B0] =	vst v0  }
0x24: {  	[tilespmem:s30+$0x86C0] =	vst v0  }
0x25: {  	[tilespmem:s30+$0x86D0] =	vst v0  }
0x26: {  	[tilespmem:s30+$0x86E0] =	vst v0  }
0x27: {  	[tilespmem:s30+$0x86F0] =	vst v0  }
0x28: {  	[tilespmem:s30+$0x8700] =	vst v0  }
0x29: {  	[tilespmem:s30+$0x8710] =	vst v0  }
0x2a: {  	[tilespmem:s30+$0x8720] =	vst v0  }
0x2b: {  	[tilespmem:s30+$0x8730] =	vst v0  }
0x2c: {  	[tilespmem:s30+$0x8740] =	vst v0  }
0x2d: {  	[tilespmem:s30+$0x8750] =	vst v0  }
0x2e: {  	[tilespmem:s30+$0x8760] =	vst v0  }
0x2f: {  	[tilespmem:s30+$0x8770] =	vst v0  }
0x30: {  	[tilespmem:s30+$0x8780] =	vst v0  }
.Ltmp0:
0x31: {  	[tilespmem:s30+$0x8790] =	vst v0;
	(pc) =	sbr.rel @p0 .LBB2_2-.Ltmp0, $4  }
0x32: {  	[tilespmem:s30+$0x87A0] =	vst v0  }
0x33: {  	[tilespmem:s30+$0x87B0] =	vst v0  }
0x34: {  	[tilespmem:s30+$0x87C0] =	vst v0  }
0x35: {  	[tilespmem:s30+$0x87D0] =	vst v0;
	s30 =	sshra.s32 s31, $0x2;
	s31 =	sadd.s32 $0x800, s31  }
0x36: {  	[tilespmem:s30+$0x87E0] =	vst v0  }
0x37: {  	[tilespmem:s30+$0x85F0] =	vst v0  }
0x38: {  	[tilespmem:s30+$0x8600] =	vst v0  }
0x39: {  	[tilespmem:s30+$0x8610] =	vst v0  }
0x3a: {  	[tilespmem:s30+$0x8620] =	vst v0  }
0x3b: {  	[tilespmem:s30+$0x8630] =	vst v0  }
0x3c: {  	[tilespmem:s30+$0x8640] =	vst v0  }
0x3d: {  	[tilespmem:s30+$0x8650] =	vst v0  }
0x3e: {  	[tilespmem:s30+$0x8660] =	vst v0  }
0x3f: {  	[tilespmem:s30+$0x8670] =	vst v0  }
0x40: {  	[tilespmem:s30+$0x8680] =	vst v0  }
0x41: {  	[tilespmem:s30+$0x8690] =	vst v0  }
0x42: {  	[tilespmem:s30+$0x86A0] =	vst v0  }
0x43: {  	[tilespmem:s30+$0x86B0] =	vst v0  }
0x44: {  	[tilespmem:s30+$0x86C0] =	vst v0  }
0x45: {  	[tilespmem:s30+$0x86D0] =	vst v0  }
0x46: {  	[tilespmem:s30+$0x86E0] =	vst v0  }
0x47: {  	[tilespmem:s30+$0x86F0] =	vst v0  }
0x48: {  	[tilespmem:s30+$0x8700] =	vst v0  }
0x49: {  	[tilespmem:s30+$0x8710] =	vst v0  }
0x4a: {  	[tilespmem:s30+$0x8720] =	vst v0  }
0x4b: {  	[tilespmem:s30+$0x8730] =	vst v0  }
0x4c: {  	[tilespmem:s30+$0x8740] =	vst v0  }
0x4d: {  	[tilespmem:s30+$0x8750] =	vst v0  }
0x4e: {  	[tilespmem:s30+$0x8760] =	vst v0  }
0x4f: {  	[tilespmem:s30+$0x8770] =	vst v0  }
0x50: {  	[tilespmem:s30+$0x8780] =	vst v0  }
0x51: {  	[tilespmem:s30+$0x8790] =	vst v0  }
0x52: {  	[tilespmem:s30+$0x87A0] =	vst v0  }
0x53: {  	[tilespmem:s30+$0x87B0] =	vst v0  }
0x54: {  	[tilespmem:s30+$0x87C0] =	vst v0  }
0x55: {  	[tilespmem:s30+$0x87D0] =	vst v0;
	s30 =	simm.s32 $0x40;
	s31 =	simm.s32 $0x0  }
.LBB2_4:
0x56: {  	p0 =	sne.s32 s30, $0xFC0;
	[tilespmem:s31+$0x18DF0] =	vst v0;
	s31 =	smov.u32 s30;
	s30 =	sadd.s32 $0x40, s30  }
.Ltmp1:
0x57: {  	(pc) =	sbr.rel @p0 .LBB2_4-.Ltmp1, $2  }
0x58: {  	_ =	sdelay $0x2  }
0x59: {  	s31 =	sshra.s32 s31, $0x2  }
0x5a: {  	[tilespmem:s31+$0x18DF0] =	vst v0;
	s30 =	simm.s32 $0x40;
	s31 =	simm.s32 $0x0  }
.LBB2_6:
0x5b: {  	p0 =	sne.s32 s30, $0x1FC0;
	[tilespmem:s31+$0x185F0] =	vst v1;
	s31 =	smov.u32 s30;
	s30 =	sadd.s32 $0x40, s30  }
.Ltmp2:
0x5c: {  	(pc) =	sbr.rel @p0 .LBB2_6-.Ltmp2, $2  }
0x5d: {  	_ =	sdelay $0x2  }
0x5e: {  	s31 =	sshra.s32 s31, $0x2  }
0x5f: {  	[tilespmem:s31+$0x185F0] =	vst v1  }
0x60: {  	[spmem:s7] =	stream.linear.scatter [tilespmem:s14], [sflag:$0x2], $0x8000, $0x38;
	[tilespmem:$0x191F0] =	vst v63  }
0x61: {  	_ =	swait.ge [sflag:s15], $0x8000  }
0x62: {  	[sflag:s15] =	ssyncset.done $0x0  }
0x63: {  	[sflag:s15] =	ssyncadd.s32 $0xFFFF8000  }
0x64: {  	[spmem:s8] =	stream.linear.scatter [tilespmem:s16], [sflag:$0x2], $0x400, $0x38;
	[tilespmem:$0x191F0] =	vst v63  }
0x65: {  	_ =	swait.ge [sflag:s15], $0x400  }
0x66: {  	[sflag:s15] =	ssyncset.done $0x0  }
0x67: {  	[sflag:s15] =	ssyncadd.s32 $0xFFFFFC00  }
0x68: {  	[tilespmem:s17], [sflag:$0x2] =	stream.linear.gather [hbm4b:s9+s4], $0x200, $0x38;
	[tilespmem:$0x191F0] =	vst v63  }
0x69: {  	_ =	swait.ge [sflag:s15], $0x200  }
0x6a: {  	[sflag:s15] =	ssyncset.done $0x0  }
0x6b: {  	[sflag:s15] =	ssyncadd.s32 $0xFFFFFE00  }
0x6c: {  	[tilespmem:s18], [sflag:$0x2] =	stream.linear.gather [hbm4b:s10+s4], $0x200, $0x38;
	[tilespmem:$0x191F0] =	vst v63  }
0x6d: {  	_ =	swait.ge [sflag:s15], $0x200  }
0x6e: {  	[sflag:s15] =	ssyncset.done $0x0  }
0x6f: {  	[sflag:s15] =	ssyncadd.s32 $0xFFFFFE00  }
0x70: {  	[bflag:$0x0] =	sbarrier.arrive $0xFFFF  }
0x71: {  	[tilespmem:s14], [sflag:$0x1] =	stream.indirect.gather [hbm4b:s6+s19], $0x200, s17, s19, $0xb8;
	[tilespmem:$0x191F0] =	vst v63  }
0x72: {  	_ =	swait.ge [sflag:s20], $0x10000  }
0x73: {  	[sflag:s20] =	ssyncset.done $0x0  }
0x74: {  	[sflag:s20] =	ssyncadd.s32 $0xFFFF0000  }
0x75: {  	[spmem:s1] =	stream.indirect.scatter.add.f32 [tilespmem:s14], [sflag:$0x2], $0x200, s18, s19, $0xb8;
	[tilespmem:$0x191F0] =	vst v63  }
0x76: {  	_ =	swait.ge [sflag:s15], $0x10000  }
0x77: {  	[sflag:s15] =	ssyncset.done $0x0  }
0x78: {  	[sflag:s15] =	ssyncadd.s32 $0xFFFF0000  }
0x79: {  	[spmem:s2] =	stream.indirect.scatter.add.f32 [tilespmem:s21], [sflag:$0x2], $0x10, s18, s19, $0xb8;
	[tilespmem:$0x191F0] =	vst v63  }
0x7a: {  	_ =	swait.ge [sflag:s15], $0x800  }
0x7b: {  	[sflag:s15] =	ssyncset.done $0x0  }
0x7c: {  	[sflag:s15] =	ssyncadd.s32 $0xFFFFF800  }
0x7d: {  	[tilespmem:s14], [sflag:$0x1] =	stream.indirect.gather [hbm4b:s6+s19], $0x200, s22, s19, $0xb8;
	[tilespmem:$0x191F0] =	vst v63  }
0x7e: {  	_ =	swait.ge [sflag:s20], $0x10000  }
0x7f: {  	[sflag:s20] =	ssyncset.done $0x0  }
0x80: {  	[sflag:s20] =	ssyncadd.s32 $0xFFFF0000  }
0x81: {  	[spmem:s1] =	stream.indirect.scatter.add.f32 [tilespmem:s14], [sflag:$0x2], $0x200, s23, s19, $0xb8;
	[tilespmem:$0x191F0] =	vst v63  }
0x82: {  	_ =	swait.ge [sflag:s15], $0x10000  }
0x83: {  	[sflag:s15] =	ssyncset.done $0x0  }
0x84: {  	[sflag:s15] =	ssyncadd.s32 $0xFFFF0000  }
0x85: {  	[spmem:s2] =	stream.indirect.scatter.add.f32 [tilespmem:s21], [sflag:$0x2], $0x10, s23, s19, $0xb8;
	[tilespmem:$0x191F0] =	vst v63  }
0x86: {  	_ =	swait.ge [sflag:s15], $0x800  }
0x87: {  	[sflag:s15] =	ssyncset.done $0x0  }
0x88: {  	[sflag:s15] =	ssyncadd.s32 $0xFFFFF800  }
0x89: {  	[tilespmem:s14], [sflag:$0x1] =	stream.indirect.gather [hbm4b:s6+s19], $0x200, s24, s19, $0xb8;
	[tilespmem:$0x191F0] =	vst v63  }
0x8a: {  	_ =	swait.ge [sflag:s20], $0x10000  }
0x8b: {  	[sflag:s20] =	ssyncset.done $0x0  }
0x8c: {  	[sflag:s20] =	ssyncadd.s32 $0xFFFF0000  }
0x8d: {  	[spmem:s1] =	stream.indirect.scatter.add.f32 [tilespmem:s14], [sflag:$0x2], $0x200, s25, s19, $0xb8;
	[tilespmem:$0x191F0] =	vst v63  }
0x8e: {  	_ =	swait.ge [sflag:s15], $0x10000  }
0x8f: {  	[sflag:s15] =	ssyncset.done $0x0  }
0x90: {  	[sflag:s15] =	ssyncadd.s32 $0xFFFF0000  }
0x91: {  	[spmem:s2] =	stream.indirect.scatter.add.f32 [tilespmem:s21], [sflag:$0x2], $0x10, s25, s19, $0xb8;
	[tilespmem:$0x191F0] =	vst v63  }
0x92: {  	_ =	swait.ge [sflag:s15], $0x800  }
0x93: {  	[sflag:s15] =	ssyncset.done $0x0  }
0x94: {  	[sflag:s15] =	ssyncadd.s32 $0xFFFFF800  }
0x95: {  	[tilespmem:s14], [sflag:$0x1] =	stream.indirect.gather [hbm4b:s6+s19], $0x200, s26, s19, $0xb8;
	[tilespmem:$0x191F0] =	vst v63  }
0x96: {  	_ =	swait.ge [sflag:s20], $0x10000  }
0x97: {  	[sflag:s20] =	ssyncset.done $0x0  }
0x98: {  	[sflag:s20] =	ssyncadd.s32 $0xFFFF0000  }
0x99: {  	[spmem:s1] =	stream.indirect.scatter.add.f32 [tilespmem:s14], [sflag:$0x2], $0x200, s28, s19, $0xb8;
	[tilespmem:$0x191F0] =	vst v63  }
0x9a: {  	_ =	swait.ge [sflag:s15], $0x10000  }
0x9b: {  	[sflag:s15] =	ssyncset.done $0x0  }
0x9c: {  	[sflag:s15] =	ssyncadd.s32 $0xFFFF0000  }
0x9d: {  	[spmem:s2] =	stream.indirect.scatter.add.f32 [tilespmem:s21], [sflag:$0x2], $0x10, s28, s19, $0xb8;
	[tilespmem:$0x191F0] =	vst v63  }
0x9e: {  	_ =	swait.ge [sflag:s15], $0x800  }
0x9f: {  	[sflag:s15] =	ssyncset.done $0x0  }
0xa0: {  	[sflag:s15] =	ssyncadd.s32 $0xFFFFF800  }
0xa1: {  	s30 =	sor.u32 $0x1C02, s5;
	s31 =	sshrl.u32 s7, $0x3;
	[bflag:$0x0] =	sbarrier.arrive $0xFFFF  }
0xa2: {  	[hbm:s11], [sflag:s30] =	dma.local [spmem:s31], $0x1000  }
0xa3: {  	s29 =	sadd.s32 $0x1, s29;
	_ =	swait.ge [sflag:s15], $0x1000  }
0xa4: {  	p0 =	sne.s32 s29, s13;
	[sflag:s15] =	ssyncset.done $0x0  }
.Ltmp3:
0xa5: {  	s31 =	sshrl.u32 s8, $0x3;
	[sflag:s15] =	ssyncadd.s32 $0xFFFFF000;
	(pc) =	sbr.rel @p0 .LBB2_1-.Ltmp3, $4  }
0xa6: {  	[hbm:s12], [sflag:s30] =	dma.local [spmem:s31], $0x80  }
0xa7: {  	_ =	swait.ge [sflag:s15], $0x80  }
0xa8: {  	[sflag:s15] =	ssyncset.done $0x0  }
0xa9: {  	[sflag:s15] =	ssyncadd.s32 $0xFFFFFF80  }
0xaa: {  	_ =	sfence.sel $0x180000  }
0xab: {  	[bflag:$0x0] =	sbarrier.arrive $0xFFFF  }
0xac: {  	p0 =	sne.s32 s3, $0x0;
	_ =	strace $0x9000004A  }
0xad: {  	s0 =	sadd.s32 @!p0 $0x100000, s0;
	[bflag:$0x2] =	sbarrier.arrive $0xFFFF  }
0xae: {  	[sflag:s0] =	ssyncadd.tile.s32 @!p0 $0x1;
	_ =	shalt  }
.Lfunc_end2:
_tile_overlayer_lowered:
.L_overlay_start_2:
0xaf: {  	(tag) =	ssettag $0x2  }
0xb0: {  	s0 =	rddreg [dreg:$0x0];
	s2 =	stileid.u32  }
0xb1: {  	s1 =	rddreg [dreg:$0x1];
	p0 =	sne.s32 s2, $0x0  }
0xb2: {  	s3 =	rddreg [dreg:$0x2];
	[bflag:$0x3] =	sbarrier.arrive $0xFFFF;
	s2 =	simm.s32 @!p0 $0x1C02  }
0xb3: {  	[timem:s3], [sflag:s2] =	dma.local @!p0 [hbm:s0], s1  }
0xb4: {  	s0 =	simm.s32 @!p0 $0x2  }
0xb5: {  	_ =	swait.ge @!p0 [sflag:s0], s1  }
0xb6: {  	s1 =	ssub.s32 @!p0 $0x0, s1;
	[sflag:s0] =	ssyncset.done @!p0 $0x0  }
0xb7: {  	[sflag:s0] =	ssyncadd.s32 @!p0 s1  }
0xb8: {  	[bflag:$0x3] =	sbarrier.arrive $0xFFFF  }
0xb9: {  	_ =	shalt  }

</sc_bundles>
